<compile_context>
chip_gen: v7x
topology: tpu7x:2x2x1
jax: 0.10.2.dev20260603
libtpu: 0.0.44.dev20260713+nightly
codegen_flags: <defaults>
</compile_context>

<pallas_src>
import functools

import jax
import jax.numpy as jnp
import numpy as np
from jax import lax
from jax.experimental import pallas as pl
from jax.experimental.pallas import tpu as pltpu
from jax.experimental.pallas import tpu_sc as plsc

B = 16384
H = 50
D = 32
OUT_D = 3 * D
NC = 2
NS = 16
NW = NC * NS
RW = B // NW
C = 32
G = RW // C
CH = C * H
CHP = 1664
L = 16


def _sc_kernel(user_hbm, mem_hbm, utab_hbm, itab_hbm, rtab_hbm, btab_hbm,
               out_hbm,
               idx2_a, idx_a, rows_a, idx2_b, idx_b, rows_b,
               out_v, uidx_v, user_v, rtab_v, btab_v,
               sem_a, sem_b, sem_u):
    sid = lax.axis_index("s")
    wid = sid * NC + lax.axis_index("c")
    base = wid * RW

    inv_h = jnp.float32(1.0 / H)

    pltpu.sync_copy(rtab_hbm, rtab_v)
    pltpu.sync_copy(btab_hbm, btab_v)

    def prefetch(g, idx2_v, idx_v, rows_v, sem):
        r0 = base + g * C
        pltpu.sync_copy(mem_hbm.at[:, pl.ds(r0, C)], idx2_v)

        def flat_body(i, _):
            sl = pl.ds(i * L, L)
            v = plsc.load_gather(idx2_v, [rtab_v[sl], btab_v[sl]])
            idx_v[sl] = v.astype(jnp.int32)
            return 0
        lax.fori_loop(0, CHP // L, flat_body, 0)
        pltpu.async_copy(itab_hbm.at[idx_v], rows_v, sem)

    def finish(g, idx_v, rows_v, sem):
        r0 = base + g * C
        pltpu.make_async_copy(itab_hbm.at[idx_v], rows_v, sem).wait()
        pltpu.sync_copy(user_hbm.at[pl.ds(r0, C)], uidx_v)
        pltpu.async_copy(utab_hbm.at[uidx_v], user_v, sem_u).wait()

        def row_body(r, _):
            acc0 = jnp.zeros((L,), jnp.float32)
            acc1 = jnp.zeros((L,), jnp.float32)
            for h in range(H):
                acc0 = acc0 + rows_v[h * C + r, pl.ds(0, L)]
                acc1 = acc1 + rows_v[h * C + r, pl.ds(L, L)]
            m0 = acc0 * inv_h
            m1 = acc1 * inv_h
            u0 = user_v[r, pl.ds(0, L)]
            u1 = user_v[r, pl.ds(L, L)]
            out_v[r, pl.ds(0, L)] = m0
            out_v[r, pl.ds(L, L)] = m1
            out_v[r, pl.ds(D, L)] = m0 * u0
            out_v[r, pl.ds(D + L, L)] = m1 * u1
            out_v[r, pl.ds(2 * D, L)] = u0
            out_v[r, pl.ds(2 * D + L, L)] = u1
            return 0
        lax.fori_loop(0, C, row_body, 0)
        pltpu.sync_copy(out_v, out_hbm.at[pl.ds(r0, C)])

    prefetch(0, idx2_a, idx_a, rows_a, sem_a)

    def pair_body(k, _):
        g0 = k * 2

        @pl.when(g0 + 1 < G)
        def _():
            prefetch(g0 + 1, idx2_b, idx_b, rows_b, sem_b)
        finish(g0, idx_a, rows_a, sem_a)

        @pl.when(g0 + 2 < G)
        def _():
            prefetch(g0 + 2, idx2_a, idx_a, rows_a, sem_a)

        @pl.when(g0 + 1 < G)
        def _():
            finish(g0 + 1, idx_b, rows_b, sem_b)
        return 0

    lax.fori_loop(0, (G + 1) // 2, pair_body, 0)


@jax.jit
def _run(user, memory, user_table, item_table, r_tab, b_tab):
    mesh = plsc.VectorSubcoreMesh(core_axis_name="c", subcore_axis_name="s")
    f = functools.partial(
        pl.kernel,
        mesh=mesh,
        compiler_params=pltpu.CompilerParams(use_tc_tiling_on_sc=False,
                                             needs_layout_passes=False),
        out_type=jax.ShapeDtypeStruct((B, OUT_D), jnp.float32),
        scratch_types=[
            pltpu.VMEM((H, C), jnp.float32),
            pltpu.VMEM((CHP,), jnp.int32),
            pltpu.VMEM((CHP, D), jnp.float32),
            pltpu.VMEM((H, C), jnp.float32),
            pltpu.VMEM((CHP,), jnp.int32),
            pltpu.VMEM((CHP, D), jnp.float32),
            pltpu.VMEM((C, OUT_D), jnp.float32),
            pltpu.VMEM((C,), jnp.int32),
            pltpu.VMEM((C, D), jnp.float32),
            pltpu.VMEM((CHP,), jnp.int32),
            pltpu.VMEM((CHP,), jnp.int32),
            pltpu.SemaphoreType.DMA,
            pltpu.SemaphoreType.DMA,
            pltpu.SemaphoreType.DMA,
        ],
    )(_sc_kernel)
    return f(user, memory, user_table, item_table, r_tab, b_tab)


_P = np.arange(CHP)
_R_TAB = np.where(_P < CH, _P // C, 0).astype(np.int32)
_B_TAB = np.where(_P < CH, _P % C, 0).astype(np.int32)


def kernel(user, memory, user_table, item_table):
    return _run(user, memory.astype(jnp.float32).T, user_table, item_table,
                _R_TAB, _B_TAB)

# --- scband reference (transcript-rebuilt; emitter-appended) ---
"""Pipeline reference for scband-state-repr-87582973100582 (READ-ONLY COPY).

The authoritative reference and input builder live on the scoring server;
editing this copy changes nothing except your own understanding.
"""

import jax, jax.numpy as jnp
import numpy as np

USER_NUM = 100000
ITEM_NUM = 1000000
EMBED_DIM = 32
BATCH = 16384
HIST = 50

def setup_inputs(seed: int = 0) -> dict:
    key = jax.random.key(seed)
    k1, k2, k3, k4 = jax.random.split(key, 4)
    user = jax.random.randint(k1, (BATCH,), 0, USER_NUM, dtype=jnp.int32)
    memory = jax.random.randint(k2, (BATCH, HIST), 0, ITEM_NUM, dtype=jnp.int32)
    user_table = jax.random.normal(k3, (USER_NUM + 1, EMBED_DIM), dtype=jnp.float32)
    item_table = jax.random.normal(k4, (ITEM_NUM + 1, EMBED_DIM), dtype=jnp.float32)
    # padding_idx=0 row is zeroed in torch nn.Embedding
    item_table = item_table.at[0].set(0.0)
    return {"user": user, "memory": memory, "user_table": user_table, "item_table": item_table}

def reference(user, memory, user_table, item_table):
    user_embedding = jnp.take(user_table, user, axis=0)              # [B, D]
    item_embeddings = jnp.take(item_table, memory, axis=0)           # [B, H, D]
    mean = jnp.mean(item_embeddings, axis=1)                         # [B, D]
    return jnp.concatenate([mean, mean * user_embedding, user_embedding], axis=1)  # [B, 3D]

if __name__ == "__main__":
    import jax
    _d = setup_inputs()
    print(jax.jit(kernel)(*tuple(_d.values())))

</pallas_src>

<mosaic_0001>
#map = affine_map<(d0, d1) -> (0)>
#map1 = affine_map<(d0, d1) -> (0, 0)>
module attributes {stable_mosaic.version = 14 : i64} {
  func.func @_sc_kernel(%arg0: i32, %arg1: i32, %arg2: memref<16384xi32, #tpu.memory_space<hbm>>, %arg3: memref<50x16384xf32, #tpu.memory_space<hbm>>, %arg4: memref<100001x32xf32, #tpu.memory_space<hbm>>, %arg5: memref<1000001x32xf32, #tpu.memory_space<hbm>>, %arg6: memref<1664xi32, #tpu.memory_space<hbm>>, %arg7: memref<1664xi32, #tpu.memory_space<hbm>>, %arg8: memref<16384x96xf32, #tpu.memory_space<hbm>>, %arg9: memref<50x32xf32, #tpu.memory_space<vmem>>, %arg10: memref<1664xi32, #tpu.memory_space<vmem>>, %arg11: memref<1664x32xf32, #tpu.memory_space<vmem>>, %arg12: memref<50x32xf32, #tpu.memory_space<vmem>>, %arg13: memref<1664xi32, #tpu.memory_space<vmem>>, %arg14: memref<1664x32xf32, #tpu.memory_space<vmem>>, %arg15: memref<32x96xf32, #tpu.memory_space<vmem>>, %arg16: memref<32xi32, #tpu.memory_space<vmem>>, %arg17: memref<32x32xf32, #tpu.memory_space<vmem>>, %arg18: memref<1664xi32, #tpu.memory_space<vmem>>, %arg19: memref<1664xi32, #tpu.memory_space<vmem>>, %arg20: memref<!tpu.dma_semaphore, #tpu.memory_space<semaphore_mem>>, %arg21: memref<!tpu.dma_semaphore, #tpu.memory_space<semaphore_mem>>, %arg22: memref<!tpu.dma_semaphore, #tpu.memory_space<semaphore_mem>>) attributes {dimension_semantics = [#tpu.dimension_semantics<core_parallel>, #tpu.dimension_semantics<subcore_parallel>], iteration_bounds = array<i64: 2, 16>, scalar_prefetch = 0 : i64, scratch_operands = 14 : i64, tpu.core_type = #tpu.core_type<sc_vector_subcore>, window_params = [{transform_indices = #map}, {transform_indices = #map1}, {transform_indices = #map1}, {transform_indices = #map1}, {transform_indices = #map}, {transform_indices = #map}, {transform_indices = #map1}]} {
    %mul3A = arith.constant 2 : i32
    %mul3A_0 = arith.muli %arg1, %mul3A : i32
    %add3A = arith.addi %mul3A_0, %arg0 : i32
    %mul3A_1 = arith.constant 512 : i32
    %mul3A_2 = arith.muli %add3A, %mul3A_1 : i32
    "tpu.region"() ({
      %run_scoped3A = tpu.sem_alloc : memref<!tpu.dma_semaphore, #tpu.memory_space<semaphore_mem>>
      tpu.enqueue_dma source(%arg6 : memref<1664xi32, #tpu.memory_space<hbm>>) target(%arg18 : memref<1664xi32, #tpu.memory_space<vmem>>) target_semaphore(%run_scoped3A : memref<!tpu.dma_semaphore, #tpu.memory_space<semaphore_mem>>)
      tpu.wait_dma2 semaphore(%run_scoped3A : memref<!tpu.dma_semaphore, #tpu.memory_space<semaphore_mem>>) src(%arg6 : memref<1664xi32, #tpu.memory_space<hbm>>) dst(%arg18 : memref<1664xi32, #tpu.memory_space<vmem>>)
      tpu.yield
    }) : () -> ()
    "tpu.region"() ({
      %run_scoped3A = tpu.sem_alloc : memref<!tpu.dma_semaphore, #tpu.memory_space<semaphore_mem>>
      tpu.enqueue_dma source(%arg7 : memref<1664xi32, #tpu.memory_space<hbm>>) target(%arg19 : memref<1664xi32, #tpu.memory_space<vmem>>) target_semaphore(%run_scoped3A : memref<!tpu.dma_semaphore, #tpu.memory_space<semaphore_mem>>)
      tpu.wait_dma2 semaphore(%run_scoped3A : memref<!tpu.dma_semaphore, #tpu.memory_space<semaphore_mem>>) src(%arg7 : memref<1664xi32, #tpu.memory_space<hbm>>) dst(%arg19 : memref<1664xi32, #tpu.memory_space<vmem>>)
      tpu.yield
    }) : () -> ()
    %add3A_3 = arith.constant 0 : i32
    %add3A_4 = arith.addi %mul3A_2, %add3A_3 : i32
    "tpu.region"() ({
      %run_scoped3A = tpu.sem_alloc : memref<!tpu.dma_semaphore, #tpu.memory_space<semaphore_mem>>
      %dma_start3A_21 = arith.constant 0 : i32
      %dma_start3A_22 = tpu.memref_slice %arg3[%dma_start3A_21, %add3A_4] : memref<50x16384xf32, #tpu.memory_space<hbm>> -> memref<50x32xf32, #tpu.memory_space<hbm>>
      %dma_start3A_23 = arith.constant 0 : i32
      %dma_start3A_24 = tpu.memref_slice %arg3[%dma_start3A_23, %add3A_4] : memref<50x16384xf32, #tpu.memory_space<hbm>> -> memref<50x32xf32, #tpu.memory_space<hbm>>
      tpu.enqueue_dma source(%dma_start3A_24 : memref<50x32xf32, #tpu.memory_space<hbm>>) target(%arg9 : memref<50x32xf32, #tpu.memory_space<vmem>>) target_semaphore(%run_scoped3A : memref<!tpu.dma_semaphore, #tpu.memory_space<semaphore_mem>>)
      %dma_wait3A = arith.constant 0 : i32
      %dma_wait3A_25 = tpu.memref_slice %arg3[%dma_wait3A, %add3A_4] : memref<50x16384xf32, #tpu.memory_space<hbm>> -> memref<50x32xf32, #tpu.memory_space<hbm>>
      %dma_wait3A_26 = arith.constant 0 : i32
      %dma_wait3A_27 = tpu.memref_slice %arg3[%dma_wait3A_26, %add3A_4] : memref<50x16384xf32, #tpu.memory_space<hbm>> -> memref<50x32xf32, #tpu.memory_space<hbm>>
      tpu.wait_dma2 semaphore(%run_scoped3A : memref<!tpu.dma_semaphore, #tpu.memory_space<semaphore_mem>>) src(%dma_wait3A_27 : memref<50x32xf32, #tpu.memory_space<hbm>>) dst(%arg9 : memref<50x32xf32, #tpu.memory_space<vmem>>)
      tpu.yield
    }) : () -> ()
    %scan3A = arith.constant 0 : i32
    %scan3A_5 = arith.constant 0 : i32
    %scan3A_6 = arith.constant 104 : i32
    %scan3A_7 = arith.addi %scan3A_5, %scan3A_6 : i32
    %scan3A_8 = arith.constant 1 : i32
    %scan3A_9 = scf.for %scan3A_21 = %scan3A_5 to %scan3A_7 step %scan3A_8 iter_args(%scan3A_22 = %scan3A) -> (i32)  : i32 {
      %mul3A_23 = arith.constant 16 : i32
      %mul3A_24 = arith.muli %scan3A_21, %mul3A_23 : i32
      %get3A = arith.index_cast %mul3A_24 : i32 to index
      %get3A_25 = tpu.vector_load %arg18[%get3A] {strides = array<i32>} : memref<1664xi32, #tpu.memory_space<vmem>>, vector<16xi32>,
      %get3A_26 = arith.index_cast %mul3A_24 : i32 to index
      %get3A_27 = tpu.vector_load %arg19[%get3A_26] {strides = array<i32>} : memref<1664xi32, #tpu.memory_space<vmem>>, vector<16xi32>,
      %gather3A = tpu.vector_load_idx %arg9[%get3A_25, %get3A_27] : memref<50x32xf32, #tpu.memory_space<vmem>>[vector<16xi32>, vector<16xi32>], vector<16xf32>,
      %convert_element_type3A = arith.fptosi %gather3A : vector<16xf32> to vector<16xi32>
      %swap3A = arith.index_cast %mul3A_24 : i32 to index
      %swap3A_28 = tpu.vector_load %arg10[%swap3A] {strides = array<i32>} : memref<1664xi32, #tpu.memory_space<vmem>>, vector<16xi32>,
      tpu.vector_store %arg10[%swap3A], %convert_element_type3A {strides = array<i32>} : memref<1664xi32, #tpu.memory_space<vmem>>, vector<16xi32>,
      %scan3A_29 = arith.constant 0 : i32
      scf.yield %scan3A_29 : i32
    }
    %scan3A_10 = arith.constant 104 : i32
    %dma_start3A = arith.constant 0 : i32
    %dma_start3A_11 = arith.constant 0 : i32
    %dma_start3A_12 = tpu.memref_slice %arg5[%dma_start3A, %dma_start3A_11] : memref<1000001x32xf32, #tpu.memory_space<hbm>> -> memref<1000001x32xf32, #tpu.memory_space<hbm>>
    tpu.enqueue_indirect_dma source(%dma_start3A_12 : memref<1000001x32xf32, #tpu.memory_space<hbm>>) target(%arg11 : memref<1664x32xf32, #tpu.memory_space<vmem>>) offsets(%arg10 : memref<1664xi32, #tpu.memory_space<vmem>>) semaphore(%arg20 : memref<!tpu.dma_semaphore, #tpu.memory_space<semaphore_mem>>)
    %scan3A_13 = arith.constant 2.000000e-02 : f32
    %scan3A_14 = arith.constant 0 : i32
    %scan3A_15 = arith.constant 0 : i32
    %scan3A_16 = arith.constant 8 : i32
    %scan3A_17 = arith.addi %scan3A_15, %scan3A_16 : i32
    %scan3A_18 = arith.constant 1 : i32
    %scan3A_19 = scf.for %scan3A_21 = %scan3A_15 to %scan3A_17 step %scan3A_18 iter_args(%scan3A_22 = %scan3A_14) -> (i32)  : i32 {
      %mul3A_23 = arith.constant 2 : i32
      %mul3A_24 = arith.muli %scan3A_21, %mul3A_23 : i32
      %add3A_25 = arith.constant 1 : i32
      %add3A_26 = arith.addi %mul3A_24, %add3A_25 : i32
      %lt3A = arith.constant 16 : i32
      %lt3A_27 = arith.cmpi slt, %add3A_26, %lt3A : i32
      %convert_element_type3A = arith.extui %lt3A_27 : i1 to i32
      %cond3A = arith.constant 0 : i32
      %cond3A_28 = arith.cmpi ne, %convert_element_type3A, %cond3A : i32
      scf.if %cond3A_28 {
        %add3A_62 = arith.constant 1 : i32
        %add3A_63 = arith.addi %mul3A_24, %add3A_62 : i32
        %mul3A_64 = arith.constant 32 : i32
        %mul3A_65 = arith.muli %add3A_63, %mul3A_64 : i32
        %add3A_66 = arith.addi %mul3A_2, %mul3A_65 : i32
        "tpu.region"() ({
          %run_scoped3A = tpu.sem_alloc : memref<!tpu.dma_semaphore, #tpu.memory_space<semaphore_mem>>
          %dma_start3A_77 = arith.constant 0 : i32
          %dma_start3A_78 = tpu.memref_slice %arg3[%dma_start3A_77, %add3A_66] : memref<50x16384xf32, #tpu.memory_space<hbm>> -> memref<50x32xf32, #tpu.memory_space<hbm>>
          %dma_start3A_79 = arith.constant 0 : i32
          %dma_start3A_80 = tpu.memref_slice %arg3[%dma_start3A_79, %add3A_66] : memref<50x16384xf32, #tpu.memory_space<hbm>> -> memref<50x32xf32, #tpu.memory_space<hbm>>
          tpu.enqueue_dma source(%dma_start3A_80 : memref<50x32xf32, #tpu.memory_space<hbm>>) target(%arg12 : memref<50x32xf32, #tpu.memory_space<vmem>>) target_semaphore(%run_scoped3A : memref<!tpu.dma_semaphore, #tpu.memory_space<semaphore_mem>>)
          %dma_wait3A_81 = arith.constant 0 : i32
          %dma_wait3A_82 = tpu.memref_slice %arg3[%dma_wait3A_81, %add3A_66] : memref<50x16384xf32, #tpu.memory_space<hbm>> -> memref<50x32xf32, #tpu.memory_space<hbm>>
          %dma_wait3A_83 = arith.constant 0 : i32
          %dma_wait3A_84 = tpu.memref_slice %arg3[%dma_wait3A_83, %add3A_66] : memref<50x16384xf32, #tpu.memory_space<hbm>> -> memref<50x32xf32, #tpu.memory_space<hbm>>
          tpu.wait_dma2 semaphore(%run_scoped3A : memref<!tpu.dma_semaphore, #tpu.memory_space<semaphore_mem>>) src(%dma_wait3A_84 : memref<50x32xf32, #tpu.memory_space<hbm>>) dst(%arg12 : memref<50x32xf32, #tpu.memory_space<vmem>>)
          tpu.yield
        }) : () -> ()
        %scan3A_67 = arith.constant 0 : i32
        %scan3A_68 = arith.constant 0 : i32
        %scan3A_69 = arith.constant 104 : i32
        %scan3A_70 = arith.addi %scan3A_68, %scan3A_69 : i32
        %scan3A_71 = arith.constant 1 : i32
        %scan3A_72 = scf.for %scan3A_77 = %scan3A_68 to %scan3A_70 step %scan3A_71 iter_args(%scan3A_78 = %scan3A_67) -> (i32)  : i32 {
          %mul3A_79 = arith.constant 16 : i32
          %mul3A_80 = arith.muli %scan3A_77, %mul3A_79 : i32
          %get3A = arith.index_cast %mul3A_80 : i32 to index
          %get3A_81 = tpu.vector_load %arg18[%get3A] {strides = array<i32>} : memref<1664xi32, #tpu.memory_space<vmem>>, vector<16xi32>,
          %get3A_82 = arith.index_cast %mul3A_80 : i32 to index
          %get3A_83 = tpu.vector_load %arg19[%get3A_82] {strides = array<i32>} : memref<1664xi32, #tpu.memory_space<vmem>>, vector<16xi32>,
          %gather3A = tpu.vector_load_idx %arg12[%get3A_81, %get3A_83] : memref<50x32xf32, #tpu.memory_space<vmem>>[vector<16xi32>, vector<16xi32>], vector<16xf32>,
          %convert_element_type3A_84 = arith.fptosi %gather3A : vector<16xf32> to vector<16xi32>
          %swap3A = arith.index_cast %mul3A_80 : i32 to index
          %swap3A_85 = tpu.vector_load %arg13[%swap3A] {strides = array<i32>} : memref<1664xi32, #tpu.memory_space<vmem>>, vector<16xi32>,
          tpu.vector_store %arg13[%swap3A], %convert_element_type3A_84 {strides = array<i32>} : memref<1664xi32, #tpu.memory_space<vmem>>, vector<16xi32>,
          %scan3A_86 = arith.constant 0 : i32
          scf.yield %scan3A_86 : i32
        }
        %scan3A_73 = arith.constant 104 : i32
        %dma_start3A_74 = arith.constant 0 : i32
        %dma_start3A_75 = arith.constant 0 : i32
        %dma_start3A_76 = tpu.memref_slice %arg5[%dma_start3A_74, %dma_start3A_75] : memref<1000001x32xf32, #tpu.memory_space<hbm>> -> memref<1000001x32xf32, #tpu.memory_space<hbm>>
        tpu.enqueue_indirect_dma source(%dma_start3A_76 : memref<1000001x32xf32, #tpu.memory_space<hbm>>) target(%arg14 : memref<1664x32xf32, #tpu.memory_space<vmem>>) offsets(%arg13 : memref<1664xi32, #tpu.memory_space<vmem>>) semaphore(%arg21 : memref<!tpu.dma_semaphore, #tpu.memory_space<semaphore_mem>>)
      } else {
      }
      %mul3A_29 = arith.constant 32 : i32
      %mul3A_30 = arith.muli %mul3A_24, %mul3A_29 : i32
      %add3A_31 = arith.addi %mul3A_2, %mul3A_30 : i32
      %dma_wait3A = arith.constant 0 : i32
      %dma_wait3A_32 = arith.constant 0 : i32
      %dma_wait3A_33 = tpu.memref_slice %arg5[%dma_wait3A, %dma_wait3A_32] : memref<1000001x32xf32, #tpu.memory_space<hbm>> -> memref<1000001x32xf32, #tpu.memory_space<hbm>>
      tpu.wait_indirect_dma semaphore(%arg20 : memref<!tpu.dma_semaphore, #tpu.memory_space<semaphore_mem>>) src(%dma_wait3A_33 : memref<1000001x32xf32, #tpu.memory_space<hbm>>) dst(%arg11 : memref<1664x32xf32, #tpu.memory_space<vmem>>)
      "tpu.region"() ({
        %run_scoped3A = tpu.sem_alloc : memref<!tpu.dma_semaphore, #tpu.memory_space<semaphore_mem>>
        %dma_start3A_62 = tpu.memref_slice %arg2[%add3A_31] : memref<16384xi32, #tpu.memory_space<hbm>> -> memref<32xi32, #tpu.memory_space<hbm>>
        %dma_start3A_63 = tpu.memref_slice %arg2[%add3A_31] : memref<16384xi32, #tpu.memory_space<hbm>> -> memref<32xi32, #tpu.memory_space<hbm>>
        tpu.enqueue_dma source(%dma_start3A_63 : memref<32xi32, #tpu.memory_space<hbm>>) target(%arg16 : memref<32xi32, #tpu.memory_space<vmem>>) target_semaphore(%run_scoped3A : memref<!tpu.dma_semaphore, #tpu.memory_space<semaphore_mem>>)
        %dma_wait3A_64 = tpu.memref_slice %arg2[%add3A_31] : memref<16384xi32, #tpu.memory_space<hbm>> -> memref<32xi32, #tpu.memory_space<hbm>>
        %dma_wait3A_65 = tpu.memref_slice %arg2[%add3A_31] : memref<16384xi32, #tpu.memory_space<hbm>> -> memref<32xi32, #tpu.memory_space<hbm>>
        tpu.wait_dma2 semaphore(%run_scoped3A : memref<!tpu.dma_semaphore, #tpu.memory_space<semaphore_mem>>) src(%dma_wait3A_65 : memref<32xi32, #tpu.memory_space<hbm>>) dst(%arg16 : memref<32xi32, #tpu.memory_space<vmem>>)
        tpu.yield
      }) : () -> ()
      %dma_start3A_34 = arith.constant 0 : i32
      %dma_start3A_35 = arith.constant 0 : i32
      %dma_start3A_36 = tpu.memref_slice %arg4[%dma_start3A_34, %dma_start3A_35] : memref<100001x32xf32, #tpu.memory_space<hbm>> -> memref<100001x32xf32, #tpu.memory_space<hbm>>
      tpu.enqueue_indirect_dma source(%dma_start3A_36 : memref<100001x32xf32, #tpu.memory_space<hbm>>) target(%arg17 : memref<32x32xf32, #tpu.memory_space<vmem>>) offsets(%arg16 : memref<32xi32, #tpu.memory_space<vmem>>) semaphore(%arg22 : memref<!tpu.dma_semaphore, #tpu.memory_space<semaphore_mem>>)
      %dma_wait3A_37 = arith.constant 0 : i32
      %dma_wait3A_38 = arith.constant 0 : i32
      %dma_wait3A_39 = tpu.memref_slice %arg4[%dma_wait3A_37, %dma_wait3A_38] : memref<100001x32xf32, #tpu.memory_space<hbm>> -> memref<100001x32xf32, #tpu.memory_space<hbm>>
      tpu.wait_indirect_dma semaphore(%arg22 : memref<!tpu.dma_semaphore, #tpu.memory_space<semaphore_mem>>) src(%dma_wait3A_39 : memref<100001x32xf32, #tpu.memory_space<hbm>>) dst(%arg17 : memref<32x32xf32, #tpu.memory_space<vmem>>)
      %scan3A_40 = arith.constant 0 : i32
      %scan3A_41 = arith.constant 0 : i32
      %scan3A_42 = arith.constant 32 : i32
      %scan3A_43 = arith.addi %scan3A_41, %scan3A_42 : i32
      %scan3A_44 = arith.constant 1 : i32
      %scan3A_45 = scf.for %scan3A_62 = %scan3A_41 to %scan3A_43 step %scan3A_44 iter_args(%scan3A_63 = %scan3A_40) -> (i32)  : i32 {
        %broadcast_in_dim3A = arith.constant 0.000000e+00 : f32
        %broadcast_in_dim3A_64 = vector.broadcast %broadcast_in_dim3A : f32 to vector<16xf32>
        %broadcast_in_dim3A_65 = arith.constant 0.000000e+00 : f32
        %broadcast_in_dim3A_66 = vector.broadcast %broadcast_in_dim3A_65 : f32 to vector<16xf32>
        %add3A_67 = arith.constant 0 : i32
        %add3A_68 = arith.addi %add3A_67, %scan3A_62 : i32
        %get3A = arith.index_cast %add3A_68 : i32 to index
        %get3A_69 = arith.constant 0 : index
        %get3A_70 = tpu.vector_load %arg11[%get3A, %get3A_69] {strides = array<i32>} : memref<1664x32xf32, #tpu.memory_space<vmem>>, vector<16xf32>,
        %add3A_71 = arith.addf %broadcast_in_dim3A_64, %get3A_70 : vector<16xf32>
        %add3A_72 = arith.constant 0 : i32
        %add3A_73 = arith.addi %add3A_72, %scan3A_62 : i32
        %get3A_74 = arith.index_cast %add3A_73 : i32 to index
        %get3A_75 = arith.constant 16 : index
        %get3A_76 = tpu.vector_load %arg11[%get3A_74, %get3A_75] {strides = array<i32>} : memref<1664x32xf32, #tpu.memory_space<vmem>>, vector<16xf32>,
        %add3A_77 = arith.addf %broadcast_in_dim3A_66, %get3A_76 : vector<16xf32>
        %add3A_78 = arith.constant 32 : i32
        %add3A_79 = arith.addi %add3A_78, %scan3A_62 : i32
        %get3A_80 = arith.index_cast %add3A_79 : i32 to index
        %get3A_81 = arith.constant 0 : index
        %get3A_82 = tpu.vector_load %arg11[%get3A_80, %get3A_81] {strides = array<i32>} : memref<1664x32xf32, #tpu.memory_space<vmem>>, vector<16xf32>,
        %add3A_83 = arith.addf %add3A_71, %get3A_82 : vector<16xf32>
        %add3A_84 = arith.constant 32 : i32
        %add3A_85 = arith.addi %add3A_84, %scan3A_62 : i32
        %get3A_86 = arith.index_cast %add3A_85 : i32 to index
        %get3A_87 = arith.constant 16 : index
        %get3A_88 = tpu.vector_load %arg11[%get3A_86, %get3A_87] {strides = array<i32>} : memref<1664x32xf32, #tpu.memory_space<vmem>>, vector<16xf32>,
        %add3A_89 = arith.addf %add3A_77, %get3A_88 : vector<16xf32>
        %add3A_90 = arith.constant 64 : i32
        %add3A_91 = arith.addi %add3A_90, %scan3A_62 : i32
        %get3A_92 = arith.index_cast %add3A_91 : i32 to index
        %get3A_93 = arith.constant 0 : index
        %get3A_94 = tpu.vector_load %arg11[%get3A_92, %get3A_93] {strides = array<i32>} : memref<1664x32xf32, #tpu.memory_space<vmem>>, vector<16xf32>,
        %add3A_95 = arith.addf %add3A_83, %get3A_94 : vector<16xf32>
        %add3A_96 = arith.constant 64 : i32
        %add3A_97 = arith.addi %add3A_96, %scan3A_62 : i32
        %get3A_98 = arith.index_cast %add3A_97 : i32 to index
        %get3A_99 = arith.constant 16 : index
        %get3A_100 = tpu.vector_load %arg11[%get3A_98, %get3A_99] {strides = array<i32>} : memref<1664x32xf32, #tpu.memory_space<vmem>>, vector<16xf32>,
        %add3A_101 = arith.addf %add3A_89, %get3A_100 : vector<16xf32>
        %add3A_102 = arith.constant 96 : i32
        %add3A_103 = arith.addi %add3A_102, %scan3A_62 : i32
        %get3A_104 = arith.index_cast %add3A_103 : i32 to index
        %get3A_105 = arith.constant 0 : index
        %get3A_106 = tpu.vector_load %arg11[%get3A_104, %get3A_105] {strides = array<i32>} : memref<1664x32xf32, #tpu.memory_space<vmem>>, vector<16xf32>,
        %add3A_107 = arith.addf %add3A_95, %get3A_106 : vector<16xf32>
        %add3A_108 = arith.constant 96 : i32
        %add3A_109 = arith.addi %add3A_108, %scan3A_62 : i32
        %get3A_110 = arith.index_cast %add3A_109 : i32 to index
        %get3A_111 = arith.constant 16 : index
        %get3A_112 = tpu.vector_load %arg11[%get3A_110, %get3A_111] {strides = array<i32>} : memref<1664x32xf32, #tpu.memory_space<vmem>>, vector<16xf32>,
        %add3A_113 = arith.addf %add3A_101, %get3A_112 : vector<16xf32>
        %add3A_114 = arith.constant 128 : i32
        %add3A_115 = arith.addi %add3A_114, %scan3A_62 : i32
        %get3A_116 = arith.index_cast %add3A_115 : i32 to index
        %get3A_117 = arith.constant 0 : index
        %get3A_118 = tpu.vector_load %arg11[%get3A_116, %get3A_117] {strides = array<i32>} : memref<1664x32xf32, #tpu.memory_space<vmem>>, vector<16xf32>,
        %add3A_119 = arith.addf %add3A_107, %get3A_118 : vector<16xf32>
        %add3A_120 = arith.constant 128 : i32
        %add3A_121 = arith.addi %add3A_120, %scan3A_62 : i32
        %get3A_122 = arith.index_cast %add3A_121 : i32 to index
        %get3A_123 = arith.constant 16 : index
        %get3A_124 = tpu.vector_load %arg11[%get3A_122, %get3A_123] {strides = array<i32>} : memref<1664x32xf32, #tpu.memory_space<vmem>>, vector<16xf32>,
        %add3A_125 = arith.addf %add3A_113, %get3A_124 : vector<16xf32>
        %add3A_126 = arith.constant 160 : i32
        %add3A_127 = arith.addi %add3A_126, %scan3A_62 : i32
        %get3A_128 = arith.index_cast %add3A_127 : i32 to index
        %get3A_129 = arith.constant 0 : index
        %get3A_130 = tpu.vector_load %arg11[%get3A_128, %get3A_129] {strides = array<i32>} : memref<1664x32xf32, #tpu.memory_space<vmem>>, vector<16xf32>,
        %add3A_131 = arith.addf %add3A_119, %get3A_130 : vector<16xf32>
        %add3A_132 = arith.constant 160 : i32
        %add3A_133 = arith.addi %add3A_132, %scan3A_62 : i32
        %get3A_134 = arith.index_cast %add3A_133 : i32 to index
        %get3A_135 = arith.constant 16 : index
        %get3A_136 = tpu.vector_load %arg11[%get3A_134, %get3A_135] {strides = array<i32>} : memref<1664x32xf32, #tpu.memory_space<vmem>>, vector<16xf32>,
        %add3A_137 = arith.addf %add3A_125, %get3A_136 : vector<16xf32>
        %add3A_138 = arith.constant 192 : i32
        %add3A_139 = arith.addi %add3A_138, %scan3A_62 : i32
        %get3A_140 = arith.index_cast %add3A_139 : i32 to index
        %get3A_141 = arith.constant 0 : index
        %get3A_142 = tpu.vector_load %arg11[%get3A_140, %get3A_141] {strides = array<i32>} : memref<1664x32xf32, #tpu.memory_space<vmem>>, vector<16xf32>,
        %add3A_143 = arith.addf %add3A_131, %get3A_142 : vector<16xf32>
        %add3A_144 = arith.constant 192 : i32
        %add3A_145 = arith.addi %add3A_144, %scan3A_62 : i32
        %get3A_146 = arith.index_cast %add3A_145 : i32 to index
        %get3A_147 = arith.constant 16 : index
        %get3A_148 = tpu.vector_load %arg11[%get3A_146, %get3A_147] {strides = array<i32>} : memref<1664x32xf32, #tpu.memory_space<vmem>>, vector<16xf32>,
        %add3A_149 = arith.addf %add3A_137, %get3A_148 : vector<16xf32>
        %add3A_150 = arith.constant 224 : i32
        %add3A_151 = arith.addi %add3A_150, %scan3A_62 : i32
        %get3A_152 = arith.index_cast %add3A_151 : i32 to index
        %get3A_153 = arith.constant 0 : index
        %get3A_154 = tpu.vector_load %arg11[%get3A_152, %get3A_153] {strides = array<i32>} : memref<1664x32xf32, #tpu.memory_space<vmem>>, vector<16xf32>,
        %add3A_155 = arith.addf %add3A_143, %get3A_154 : vector<16xf32>
        %add3A_156 = arith.constant 224 : i32
        %add3A_157 = arith.addi %add3A_156, %scan3A_62 : i32
        %get3A_158 = arith.index_cast %add3A_157 : i32 to index
        %get3A_159 = arith.constant 16 : index
        %get3A_160 = tpu.vector_load %arg11[%get3A_158, %get3A_159] {strides = array<i32>} : memref<1664x32xf32, #tpu.memory_space<vmem>>, vector<16xf32>,
        %add3A_161 = arith.addf %add3A_149, %get3A_160 : vector<16xf32>
        %add3A_162 = arith.constant 256 : i32
        %add3A_163 = arith.addi %add3A_162, %scan3A_62 : i32
        %get3A_164 = arith.index_cast %add3A_163 : i32 to index
        %get3A_165 = arith.constant 0 : index
        %get3A_166 = tpu.vector_load %arg11[%get3A_164, %get3A_165] {strides = array<i32>} : memref<1664x32xf32, #tpu.memory_space<vmem>>, vector<16xf32>,
        %add3A_167 = arith.addf %add3A_155, %get3A_166 : vector<16xf32>
        %add3A_168 = arith.constant 256 : i32
        %add3A_169 = arith.addi %add3A_168, %scan3A_62 : i32
        %get3A_170 = arith.index_cast %add3A_169 : i32 to index
        %get3A_171 = arith.constant 16 : index
        %get3A_172 = tpu.vector_load %arg11[%get3A_170, %get3A_171] {strides = array<i32>} : memref<1664x32xf32, #tpu.memory_space<vmem>>, vector<16xf32>,
        %add3A_173 = arith.addf %add3A_161, %get3A_172 : vector<16xf32>
        %add3A_174 = arith.constant 288 : i32
        %add3A_175 = arith.addi %add3A_174, %scan3A_62 : i32
        %get3A_176 = arith.index_cast %add3A_175 : i32 to index
        %get3A_177 = arith.constant 0 : index
        %get3A_178 = tpu.vector_load %arg11[%get3A_176, %get3A_177] {strides = array<i32>} : memref<1664x32xf32, #tpu.memory_space<vmem>>, vector<16xf32>,
        %add3A_179 = arith.addf %add3A_167, %get3A_178 : vector<16xf32>
        %add3A_180 = arith.constant 288 : i32
        %add3A_181 = arith.addi %add3A_180, %scan3A_62 : i32
        %get3A_182 = arith.index_cast %add3A_181 : i32 to index
        %get3A_183 = arith.constant 16 : index
        %get3A_184 = tpu.vector_load %arg11[%get3A_182, %get3A_183] {strides = array<i32>} : memref<1664x32xf32, #tpu.memory_space<vmem>>, vector<16xf32>,
        %add3A_185 = arith.addf %add3A_173, %get3A_184 : vector<16xf32>
        %add3A_186 = arith.constant 320 : i32
        %add3A_187 = arith.addi %add3A_186, %scan3A_62 : i32
        %get3A_188 = arith.index_cast %add3A_187 : i32 to index
        %get3A_189 = arith.constant 0 : index
        %get3A_190 = tpu.vector_load %arg11[%get3A_188, %get3A_189] {strides = array<i32>} : memref<1664x32xf32, #tpu.memory_space<vmem>>, vector<16xf32>,
        %add3A_191 = arith.addf %add3A_179, %get3A_190 : vector<16xf32>
        %add3A_192 = arith.constant 320 : i32
        %add3A_193 = arith.addi %add3A_192, %scan3A_62 : i32
        %get3A_194 = arith.index_cast %add3A_193 : i32 to index
        %get3A_195 = arith.constant 16 : index
        %get3A_196 = tpu.vector_load %arg11[%get3A_194, %get3A_195] {strides = array<i32>} : memref<1664x32xf32, #tpu.memory_space<vmem>>, vector<16xf32>,
        %add3A_197 = arith.addf %add3A_185, %get3A_196 : vector<16xf32>
        %add3A_198 = arith.constant 352 : i32
        %add3A_199 = arith.addi %add3A_198, %scan3A_62 : i32
        %get3A_200 = arith.index_cast %add3A_199 : i32 to index
        %get3A_201 = arith.constant 0 : index
        %get3A_202 = tpu.vector_load %arg11[%get3A_200, %get3A_201] {strides = array<i32>} : memref<1664x32xf32, #tpu.memory_space<vmem>>, vector<16xf32>,
        %add3A_203 = arith.addf %add3A_191, %get3A_202 : vector<16xf32>
        %add3A_204 = arith.constant 352 : i32
        %add3A_205 = arith.addi %add3A_204, %scan3A_62 : i32
        %get3A_206 = arith.index_cast %add3A_205 : i32 to index
        %get3A_207 = arith.constant 16 : index
        %get3A_208 = tpu.vector_load %arg11[%get3A_206, %get3A_207] {strides = array<i32>} : memref<1664x32xf32, #tpu.memory_space<vmem>>, vector<16xf32>,
        %add3A_209 = arith.addf %add3A_197, %get3A_208 : vector<16xf32>
        %add3A_210 = arith.constant 384 : i32
        %add3A_211 = arith.addi %add3A_210, %scan3A_62 : i32
        %get3A_212 = arith.index_cast %add3A_211 : i32 to index
        %get3A_213 = arith.constant 0 : index
        %get3A_214 = tpu.vector_load %arg11[%get3A_212, %get3A_213] {strides = array<i32>} : memref<1664x32xf32, #tpu.memory_space<vmem>>, vector<16xf32>,
        %add3A_215 = arith.addf %add3A_203, %get3A_214 : vector<16xf32>
        %add3A_216 = arith.constant 384 : i32
        %add3A_217 = arith.addi %add3A_216, %scan3A_62 : i32
        %get3A_218 = arith.index_cast %add3A_217 : i32 to index
        %get3A_219 = arith.constant 16 : index
        %get3A_220 = tpu.vector_load %arg11[%get3A_218, %get3A_219] {strides = array<i32>} : memref<1664x32xf32, #tpu.memory_space<vmem>>, vector<16xf32>,
        %add3A_221 = arith.addf %add3A_209, %get3A_220 : vector<16xf32>
        %add3A_222 = arith.constant 416 : i32
        %add3A_223 = arith.addi %add3A_222, %scan3A_62 : i32
        %get3A_224 = arith.index_cast %add3A_223 : i32 to index
        %get3A_225 = arith.constant 0 : index
        %get3A_226 = tpu.vector_load %arg11[%get3A_224, %get3A_225] {strides = array<i32>} : memref<1664x32xf32, #tpu.memory_space<vmem>>, vector<16xf32>,
        %add3A_227 = arith.addf %add3A_215, %get3A_226 : vector<16xf32>
        %add3A_228 = arith.constant 416 : i32
        %add3A_229 = arith.addi %add3A_228, %scan3A_62 : i32
        %get3A_230 = arith.index_cast %add3A_229 : i32 to index
        %get3A_231 = arith.constant 16 : index
        %get3A_232 = tpu.vector_load %arg11[%get3A_230, %get3A_231] {strides = array<i32>} : memref<1664x32xf32, #tpu.memory_space<vmem>>, vector<16xf32>,
        %add3A_233 = arith.addf %add3A_221, %get3A_232 : vector<16xf32>
        %add3A_234 = arith.constant 448 : i32
        %add3A_235 = arith.addi %add3A_234, %scan3A_62 : i32
        %get3A_236 = arith.index_cast %add3A_235 : i32 to index
        %get3A_237 = arith.constant 0 : index
        %get3A_238 = tpu.vector_load %arg11[%get3A_236, %get3A_237] {strides = array<i32>} : memref<1664x32xf32, #tpu.memory_space<vmem>>, vector<16xf32>,
        %add3A_239 = arith.addf %add3A_227, %get3A_238 : vector<16xf32>
        %add3A_240 = arith.constant 448 : i32
        %add3A_241 = arith.addi %add3A_240, %scan3A_62 : i32
        %get3A_242 = arith.index_cast %add3A_241 : i32 to index
        %get3A_243 = arith.constant 16 : index
        %get3A_244 = tpu.vector_load %arg11[%get3A_242, %get3A_243] {strides = array<i32>} : memref<1664x32xf32, #tpu.memory_space<vmem>>, vector<16xf32>,
        %add3A_245 = arith.addf %add3A_233, %get3A_244 : vector<16xf32>
        %add3A_246 = arith.constant 480 : i32
        %add3A_247 = arith.addi %add3A_246, %scan3A_62 : i32
        %get3A_248 = arith.index_cast %add3A_247 : i32 to index
        %get3A_249 = arith.constant 0 : index
        %get3A_250 = tpu.vector_load %arg11[%get3A_248, %get3A_249] {strides = array<i32>} : memref<1664x32xf32, #tpu.memory_space<vmem>>, vector<16xf32>,
        %add3A_251 = arith.addf %add3A_239, %get3A_250 : vector<16xf32>
        %add3A_252 = arith.constant 480 : i32
        %add3A_253 = arith.addi %add3A_252, %scan3A_62 : i32
        %get3A_254 = arith.index_cast %add3A_253 : i32 to index
        %get3A_255 = arith.constant 16 : index
        %get3A_256 = tpu.vector_load %arg11[%get3A_254, %get3A_255] {strides = array<i32>} : memref<1664x32xf32, #tpu.memory_space<vmem>>, vector<16xf32>,
        %add3A_257 = arith.addf %add3A_245, %get3A_256 : vector<16xf32>
        %add3A_258 = arith.constant 512 : i32
        %add3A_259 = arith.addi %add3A_258, %scan3A_62 : i32
        %get3A_260 = arith.index_cast %add3A_259 : i32 to index
        %get3A_261 = arith.constant 0 : index
        %get3A_262 = tpu.vector_load %arg11[%get3A_260, %get3A_261] {strides = array<i32>} : memref<1664x32xf32, #tpu.memory_space<vmem>>, vector<16xf32>,
        %add3A_263 = arith.addf %add3A_251, %get3A_262 : vector<16xf32>
        %add3A_264 = arith.constant 512 : i32
        %add3A_265 = arith.addi %add3A_264, %scan3A_62 : i32
        %get3A_266 = arith.index_cast %add3A_265 : i32 to index
        %get3A_267 = arith.constant 16 : index
        %get3A_268 = tpu.vector_load %arg11[%get3A_266, %get3A_267] {strides = array<i32>} : memref<1664x32xf32, #tpu.memory_space<vmem>>, vector<16xf32>,
        %add3A_269 = arith.addf %add3A_257, %get3A_268 : vector<16xf32>
        %add3A_270 = arith.constant 544 : i32
        %add3A_271 = arith.addi %add3A_270, %scan3A_62 : i32
        %get3A_272 = arith.index_cast %add3A_271 : i32 to index
        %get3A_273 = arith.constant 0 : index
        %get3A_274 = tpu.vector_load %arg11[%get3A_272, %get3A_273] {strides = array<i32>} : memref<1664x32xf32, #tpu.memory_space<vmem>>, vector<16xf32>,
        %add3A_275 = arith.addf %add3A_263, %get3A_274 : vector<16xf32>
        %add3A_276 = arith.constant 544 : i32
        %add3A_277 = arith.addi %add3A_276, %scan3A_62 : i32
        %get3A_278 = arith.index_cast %add3A_277 : i32 to index
        %get3A_279 = arith.constant 16 : index
        %get3A_280 = tpu.vector_load %arg11[%get3A_278, %get3A_279] {strides = array<i32>} : memref<1664x32xf32, #tpu.memory_space<vmem>>, vector<16xf32>,
        %add3A_281 = arith.addf %add3A_269, %get3A_280 : vector<16xf32>
        %add3A_282 = arith.constant 576 : i32
        %add3A_283 = arith.addi %add3A_282, %scan3A_62 : i32
        %get3A_284 = arith.index_cast %add3A_283 : i32 to index
        %get3A_285 = arith.constant 0 : index
        %get3A_286 = tpu.vector_load %arg11[%get3A_284, %get3A_285] {strides = array<i32>} : memref<1664x32xf32, #tpu.memory_space<vmem>>, vector<16xf32>,
        %add3A_287 = arith.addf %add3A_275, %get3A_286 : vector<16xf32>
        %add3A_288 = arith.constant 576 : i32
        %add3A_289 = arith.addi %add3A_288, %scan3A_62 : i32
        %get3A_290 = arith.index_cast %add3A_289 : i32 to index
        %get3A_291 = arith.constant 16 : index
        %get3A_292 = tpu.vector_load %arg11[%get3A_290, %get3A_291] {strides = array<i32>} : memref<1664x32xf32, #tpu.memory_space<vmem>>, vector<16xf32>,
        %add3A_293 = arith.addf %add3A_281, %get3A_292 : vector<16xf32>
        %add3A_294 = arith.constant 608 : i32
        %add3A_295 = arith.addi %add3A_294, %scan3A_62 : i32
        %get3A_296 = arith.index_cast %add3A_295 : i32 to index
        %get3A_297 = arith.constant 0 : index
        %get3A_298 = tpu.vector_load %arg11[%get3A_296, %get3A_297] {strides = array<i32>} : memref<1664x32xf32, #tpu.memory_space<vmem>>, vector<16xf32>,
        %add3A_299 = arith.addf %add3A_287, %get3A_298 : vector<16xf32>
        %add3A_300 = arith.constant 608 : i32
        %add3A_301 = arith.addi %add3A_300, %scan3A_62 : i32
        %get3A_302 = arith.index_cast %add3A_301 : i32 to index
        %get3A_303 = arith.constant 16 : index
        %get3A_304 = tpu.vector_load %arg11[%get3A_302, %get3A_303] {strides = array<i32>} : memref<1664x32xf32, #tpu.memory_space<vmem>>, vector<16xf32>,
        %add3A_305 = arith.addf %add3A_293, %get3A_304 : vector<16xf32>
        %add3A_306 = arith.constant 640 : i32
        %add3A_307 = arith.addi %add3A_306, %scan3A_62 : i32
        %get3A_308 = arith.index_cast %add3A_307 : i32 to index
        %get3A_309 = arith.constant 0 : index
        %get3A_310 = tpu.vector_load %arg11[%get3A_308, %get3A_309] {strides = array<i32>} : memref<1664x32xf32, #tpu.memory_space<vmem>>, vector<16xf32>,
        %add3A_311 = arith.addf %add3A_299, %get3A_310 : vector<16xf32>
        %add3A_312 = arith.constant 640 : i32
        %add3A_313 = arith.addi %add3A_312, %scan3A_62 : i32
        %get3A_314 = arith.index_cast %add3A_313 : i32 to index
        %get3A_315 = arith.constant 16 : index
        %get3A_316 = tpu.vector_load %arg11[%get3A_314, %get3A_315] {strides = array<i32>} : memref<1664x32xf32, #tpu.memory_space<vmem>>, vector<16xf32>,
        %add3A_317 = arith.addf %add3A_305, %get3A_316 : vector<16xf32>
        %add3A_318 = arith.constant 672 : i32
        %add3A_319 = arith.addi %add3A_318, %scan3A_62 : i32
        %get3A_320 = arith.index_cast %add3A_319 : i32 to index
        %get3A_321 = arith.constant 0 : index
        %get3A_322 = tpu.vector_load %arg11[%get3A_320, %get3A_321] {strides = array<i32>} : memref<1664x32xf32, #tpu.memory_space<vmem>>, vector<16xf32>,
        %add3A_323 = arith.addf %add3A_311, %get3A_322 : vector<16xf32>
        %add3A_324 = arith.constant 672 : i32
        %add3A_325 = arith.addi %add3A_324, %scan3A_62 : i32
        %get3A_326 = arith.index_cast %add3A_325 : i32 to index
        %get3A_327 = arith.constant 16 : index
        %get3A_328 = tpu.vector_load %arg11[%get3A_326, %get3A_327] {strides = array<i32>} : memref<1664x32xf32, #tpu.memory_space<vmem>>, vector<16xf32>,
        %add3A_329 = arith.addf %add3A_317, %get3A_328 : vector<16xf32>
        %add3A_330 = arith.constant 704 : i32
        %add3A_331 = arith.addi %add3A_330, %scan3A_62 : i32
        %get3A_332 = arith.index_cast %add3A_331 : i32 to index
        %get3A_333 = arith.constant 0 : index
        %get3A_334 = tpu.vector_load %arg11[%get3A_332, %get3A_333] {strides = array<i32>} : memref<1664x32xf32, #tpu.memory_space<vmem>>, vector<16xf32>,
        %add3A_335 = arith.addf %add3A_323, %get3A_334 : vector<16xf32>
        %add3A_336 = arith.constant 704 : i32
        %add3A_337 = arith.addi %add3A_336, %scan3A_62 : i32
        %get3A_338 = arith.index_cast %add3A_337 : i32 to index
        %get3A_339 = arith.constant 16 : index
        %get3A_340 = tpu.vector_load %arg11[%get3A_338, %get3A_339] {strides = array<i32>} : memref<1664x32xf32, #tpu.memory_space<vmem>>, vector<16xf32>,
        %add3A_341 = arith.addf %add3A_329, %get3A_340 : vector<16xf32>
        %add3A_342 = arith.constant 736 : i32
        %add3A_343 = arith.addi %add3A_342, %scan3A_62 : i32
        %get3A_344 = arith.index_cast %add3A_343 : i32 to index
        %get3A_345 = arith.constant 0 : index
        %get3A_346 = tpu.vector_load %arg11[%get3A_344, %get3A_345] {strides = array<i32>} : memref<1664x32xf32, #tpu.memory_space<vmem>>, vector<16xf32>,
        %add3A_347 = arith.addf %add3A_335, %get3A_346 : vector<16xf32>
        %add3A_348 = arith.constant 736 : i32
        %add3A_349 = arith.addi %add3A_348, %scan3A_62 : i32
        %get3A_350 = arith.index_cast %add3A_349 : i32 to index
        %get3A_351 = arith.constant 16 : index
        %get3A_352 = tpu.vector_load %arg11[%get3A_350, %get3A_351] {strides = array<i32>} : memref<1664x32xf32, #tpu.memory_space<vmem>>, vector<16xf32>,
        %add3A_353 = arith.addf %add3A_341, %get3A_352 : vector<16xf32>
        %add3A_354 = arith.constant 768 : i32
        %add3A_355 = arith.addi %add3A_354, %scan3A_62 : i32
        %get3A_356 = arith.index_cast %add3A_355 : i32 to index
        %get3A_357 = arith.constant 0 : index
        %get3A_358 = tpu.vector_load %arg11[%get3A_356, %get3A_357] {strides = array<i32>} : memref<1664x32xf32, #tpu.memory_space<vmem>>, vector<16xf32>,
        %add3A_359 = arith.addf %add3A_347, %get3A_358 : vector<16xf32>
        %add3A_360 = arith.constant 768 : i32
        %add3A_361 = arith.addi %add3A_360, %scan3A_62 : i32
        %get3A_362 = arith.index_cast %add3A_361 : i32 to index
        %get3A_363 = arith.constant 16 : index
        %get3A_364 = tpu.vector_load %arg11[%get3A_362, %get3A_363] {strides = array<i32>} : memref<1664x32xf32, #tpu.memory_space<vmem>>, vector<16xf32>,
        %add3A_365 = arith.addf %add3A_353, %get3A_364 : vector<16xf32>
        %add3A_366 = arith.constant 800 : i32
        %add3A_367 = arith.addi %add3A_366, %scan3A_62 : i32
        %get3A_368 = arith.index_cast %add3A_367 : i32 to index
        %get3A_369 = arith.constant 0 : index
        %get3A_370 = tpu.vector_load %arg11[%get3A_368, %get3A_369] {strides = array<i32>} : memref<1664x32xf32, #tpu.memory_space<vmem>>, vector<16xf32>,
        %add3A_371 = arith.addf %add3A_359, %get3A_370 : vector<16xf32>
        %add3A_372 = arith.constant 800 : i32
        %add3A_373 = arith.addi %add3A_372, %scan3A_62 : i32
        %get3A_374 = arith.index_cast %add3A_373 : i32 to index
        %get3A_375 = arith.constant 16 : index
        %get3A_376 = tpu.vector_load %arg11[%get3A_374, %get3A_375] {strides = array<i32>} : memref<1664x32xf32, #tpu.memory_space<vmem>>, vector<16xf32>,
        %add3A_377 = arith.addf %add3A_365, %get3A_376 : vector<16xf32>
        %add3A_378 = arith.constant 832 : i32
        %add3A_379 = arith.addi %add3A_378, %scan3A_62 : i32
        %get3A_380 = arith.index_cast %add3A_379 : i32 to index
        %get3A_381 = arith.constant 0 : index
        %get3A_382 = tpu.vector_load %arg11[%get3A_380, %get3A_381] {strides = array<i32>} : memref<1664x32xf32, #tpu.memory_space<vmem>>, vector<16xf32>,
        %add3A_383 = arith.addf %add3A_371, %get3A_382 : vector<16xf32>
        %add3A_384 = arith.constant 832 : i32
        %add3A_385 = arith.addi %add3A_384, %scan3A_62 : i32
        %get3A_386 = arith.index_cast %add3A_385 : i32 to index
        %get3A_387 = arith.constant 16 : index
        %get3A_388 = tpu.vector_load %arg11[%get3A_386, %get3A_387] {strides = array<i32>} : memref<1664x32xf32, #tpu.memory_space<vmem>>, vector<16xf32>,
        %add3A_389 = arith.addf %add3A_377, %get3A_388 : vector<16xf32>
        %add3A_390 = arith.constant 864 : i32
        %add3A_391 = arith.addi %add3A_390, %scan3A_62 : i32
        %get3A_392 = arith.index_cast %add3A_391 : i32 to index
        %get3A_393 = arith.constant 0 : index
        %get3A_394 = tpu.vector_load %arg11[%get3A_392, %get3A_393] {strides = array<i32>} : memref<1664x32xf32, #tpu.memory_space<vmem>>, vector<16xf32>,
        %add3A_395 = arith.addf %add3A_383, %get3A_394 : vector<16xf32>
        %add3A_396 = arith.constant 864 : i32
        %add3A_397 = arith.addi %add3A_396, %scan3A_62 : i32
        %get3A_398 = arith.index_cast %add3A_397 : i32 to index
        %get3A_399 = arith.constant 16 : index
        %get3A_400 = tpu.vector_load %arg11[%get3A_398, %get3A_399] {strides = array<i32>} : memref<1664x32xf32, #tpu.memory_space<vmem>>, vector<16xf32>,
        %add3A_401 = arith.addf %add3A_389, %get3A_400 : vector<16xf32>
        %add3A_402 = arith.constant 896 : i32
        %add3A_403 = arith.addi %add3A_402, %scan3A_62 : i32
        %get3A_404 = arith.index_cast %add3A_403 : i32 to index
        %get3A_405 = arith.constant 0 : index
        %get3A_406 = tpu.vector_load %arg11[%get3A_404, %get3A_405] {strides = array<i32>} : memref<1664x32xf32, #tpu.memory_space<vmem>>, vector<16xf32>,
        %add3A_407 = arith.addf %add3A_395, %get3A_406 : vector<16xf32>
        %add3A_408 = arith.constant 896 : i32
        %add3A_409 = arith.addi %add3A_408, %scan3A_62 : i32
        %get3A_410 = arith.index_cast %add3A_409 : i32 to index
        %get3A_411 = arith.constant 16 : index
        %get3A_412 = tpu.vector_load %arg11[%get3A_410, %get3A_411] {strides = array<i32>} : memref<1664x32xf32, #tpu.memory_space<vmem>>, vector<16xf32>,
        %add3A_413 = arith.addf %add3A_401, %get3A_412 : vector<16xf32>
        %add3A_414 = arith.constant 928 : i32
        %add3A_415 = arith.addi %add3A_414, %scan3A_62 : i32
        %get3A_416 = arith.index_cast %add3A_415 : i32 to index
        %get3A_417 = arith.constant 0 : index
        %get3A_418 = tpu.vector_load %arg11[%get3A_416, %get3A_417] {strides = array<i32>} : memref<1664x32xf32, #tpu.memory_space<vmem>>, vector<16xf32>,
        %add3A_419 = arith.addf %add3A_407, %get3A_418 : vector<16xf32>
        %add3A_420 = arith.constant 928 : i32
        %add3A_421 = arith.addi %add3A_420, %scan3A_62 : i32
        %get3A_422 = arith.index_cast %add3A_421 : i32 to index
        %get3A_423 = arith.constant 16 : index
        %get3A_424 = tpu.vector_load %arg11[%get3A_422, %get3A_423] {strides = array<i32>} : memref<1664x32xf32, #tpu.memory_space<vmem>>, vector<16xf32>,
        %add3A_425 = arith.addf %add3A_413, %get3A_424 : vector<16xf32>
        %add3A_426 = arith.constant 960 : i32
        %add3A_427 = arith.addi %add3A_426, %scan3A_62 : i32
        %get3A_428 = arith.index_cast %add3A_427 : i32 to index
        %get3A_429 = arith.constant 0 : index
        %get3A_430 = tpu.vector_load %arg11[%get3A_428, %get3A_429] {strides = array<i32>} : memref<1664x32xf32, #tpu.memory_space<vmem>>, vector<16xf32>,
        %add3A_431 = arith.addf %add3A_419, %get3A_430 : vector<16xf32>
        %add3A_432 = arith.constant 960 : i32
        %add3A_433 = arith.addi %add3A_432, %scan3A_62 : i32
        %get3A_434 = arith.index_cast %add3A_433 : i32 to index
        %get3A_435 = arith.constant 16 : index
        %get3A_436 = tpu.vector_load %arg11[%get3A_434, %get3A_435] {strides = array<i32>} : memref<1664x32xf32, #tpu.memory_space<vmem>>, vector<16xf32>,
        %add3A_437 = arith.addf %add3A_425, %get3A_436 : vector<16xf32>
        %add3A_438 = arith.constant 992 : i32
        %add3A_439 = arith.addi %add3A_438, %scan3A_62 : i32
        %get3A_440 = arith.index_cast %add3A_439 : i32 to index
        %get3A_441 = arith.constant 0 : index
        %get3A_442 = tpu.vector_load %arg11[%get3A_440, %get3A_441] {strides = array<i32>} : memref<1664x32xf32, #tpu.memory_space<vmem>>, vector<16xf32>,
        %add3A_443 = arith.addf %add3A_431, %get3A_442 : vector<16xf32>
        %add3A_444 = arith.constant 992 : i32
        %add3A_445 = arith.addi %add3A_444, %scan3A_62 : i32
        %get3A_446 = arith.index_cast %add3A_445 : i32 to index
        %get3A_447 = arith.constant 16 : index
        %get3A_448 = tpu.vector_load %arg11[%get3A_446, %get3A_447] {strides = array<i32>} : memref<1664x32xf32, #tpu.memory_space<vmem>>, vector<16xf32>,
        %add3A_449 = arith.addf %add3A_437, %get3A_448 : vector<16xf32>
        %add3A_450 = arith.constant 1024 : i32
        %add3A_451 = arith.addi %add3A_450, %scan3A_62 : i32
        %get3A_452 = arith.index_cast %add3A_451 : i32 to index
        %get3A_453 = arith.constant 0 : index
        %get3A_454 = tpu.vector_load %arg11[%get3A_452, %get3A_453] {strides = array<i32>} : memref<1664x32xf32, #tpu.memory_space<vmem>>, vector<16xf32>,
        %add3A_455 = arith.addf %add3A_443, %get3A_454 : vector<16xf32>
        %add3A_456 = arith.constant 1024 : i32
        %add3A_457 = arith.addi %add3A_456, %scan3A_62 : i32
        %get3A_458 = arith.index_cast %add3A_457 : i32 to index
        %get3A_459 = arith.constant 16 : index
        %get3A_460 = tpu.vector_load %arg11[%get3A_458, %get3A_459] {strides = array<i32>} : memref<1664x32xf32, #tpu.memory_space<vmem>>, vector<16xf32>,
        %add3A_461 = arith.addf %add3A_449, %get3A_460 : vector<16xf32>
        %add3A_462 = arith.constant 1056 : i32
        %add3A_463 = arith.addi %add3A_462, %scan3A_62 : i32
        %get3A_464 = arith.index_cast %add3A_463 : i32 to index
        %get3A_465 = arith.constant 0 : index
        %get3A_466 = tpu.vector_load %arg11[%get3A_464, %get3A_465] {strides = array<i32>} : memref<1664x32xf32, #tpu.memory_space<vmem>>, vector<16xf32>,
        %add3A_467 = arith.addf %add3A_455, %get3A_466 : vector<16xf32>
        %add3A_468 = arith.constant 1056 : i32
        %add3A_469 = arith.addi %add3A_468, %scan3A_62 : i32
        %get3A_470 = arith.index_cast %add3A_469 : i32 to index
        %get3A_471 = arith.constant 16 : index
        %get3A_472 = tpu.vector_load %arg11[%get3A_470, %get3A_471] {strides = array<i32>} : memref<1664x32xf32, #tpu.memory_space<vmem>>, vector<16xf32>,
        %add3A_473 = arith.addf %add3A_461, %get3A_472 : vector<16xf32>
        %add3A_474 = arith.constant 1088 : i32
        %add3A_475 = arith.addi %add3A_474, %scan3A_62 : i32
        %get3A_476 = arith.index_cast %add3A_475 : i32 to index
        %get3A_477 = arith.constant 0 : index
        %get3A_478 = tpu.vector_load %arg11[%get3A_476, %get3A_477] {strides = array<i32>} : memref<1664x32xf32, #tpu.memory_space<vmem>>, vector<16xf32>,
        %add3A_479 = arith.addf %add3A_467, %get3A_478 : vector<16xf32>
        %add3A_480 = arith.constant 1088 : i32
        %add3A_481 = arith.addi %add3A_480, %scan3A_62 : i32
        %get3A_482 = arith.index_cast %add3A_481 : i32 to index
        %get3A_483 = arith.constant 16 : index
        %get3A_484 = tpu.vector_load %arg11[%get3A_482, %get3A_483] {strides = array<i32>} : memref<1664x32xf32, #tpu.memory_space<vmem>>, vector<16xf32>,
        %add3A_485 = arith.addf %add3A_473, %get3A_484 : vector<16xf32>
        %add3A_486 = arith.constant 1120 : i32
        %add3A_487 = arith.addi %add3A_486, %scan3A_62 : i32
        %get3A_488 = arith.index_cast %add3A_487 : i32 to index
        %get3A_489 = arith.constant 0 : index
        %get3A_490 = tpu.vector_load %arg11[%get3A_488, %get3A_489] {strides = array<i32>} : memref<1664x32xf32, #tpu.memory_space<vmem>>, vector<16xf32>,
        %add3A_491 = arith.addf %add3A_479, %get3A_490 : vector<16xf32>
        %add3A_492 = arith.constant 1120 : i32
        %add3A_493 = arith.addi %add3A_492, %scan3A_62 : i32
        %get3A_494 = arith.index_cast %add3A_493 : i32 to index
        %get3A_495 = arith.constant 16 : index
        %get3A_496 = tpu.vector_load %arg11[%get3A_494, %get3A_495] {strides = array<i32>} : memref<1664x32xf32, #tpu.memory_space<vmem>>, vector<16xf32>,
        %add3A_497 = arith.addf %add3A_485, %get3A_496 : vector<16xf32>
        %add3A_498 = arith.constant 1152 : i32
        %add3A_499 = arith.addi %add3A_498, %scan3A_62 : i32
        %get3A_500 = arith.index_cast %add3A_499 : i32 to index
        %get3A_501 = arith.constant 0 : index
        %get3A_502 = tpu.vector_load %arg11[%get3A_500, %get3A_501] {strides = array<i32>} : memref<1664x32xf32, #tpu.memory_space<vmem>>, vector<16xf32>,
        %add3A_503 = arith.addf %add3A_491, %get3A_502 : vector<16xf32>
        %add3A_504 = arith.constant 1152 : i32
        %add3A_505 = arith.addi %add3A_504, %scan3A_62 : i32
        %get3A_506 = arith.index_cast %add3A_505 : i32 to index
        %get3A_507 = arith.constant 16 : index
        %get3A_508 = tpu.vector_load %arg11[%get3A_506, %get3A_507] {strides = array<i32>} : memref<1664x32xf32, #tpu.memory_space<vmem>>, vector<16xf32>,
        %add3A_509 = arith.addf %add3A_497, %get3A_508 : vector<16xf32>
        %add3A_510 = arith.constant 1184 : i32
        %add3A_511 = arith.addi %add3A_510, %scan3A_62 : i32
        %get3A_512 = arith.index_cast %add3A_511 : i32 to index
        %get3A_513 = arith.constant 0 : index
        %get3A_514 = tpu.vector_load %arg11[%get3A_512, %get3A_513] {strides = array<i32>} : memref<1664x32xf32, #tpu.memory_space<vmem>>, vector<16xf32>,
        %add3A_515 = arith.addf %add3A_503, %get3A_514 : vector<16xf32>
        %add3A_516 = arith.constant 1184 : i32
        %add3A_517 = arith.addi %add3A_516, %scan3A_62 : i32
        %get3A_518 = arith.index_cast %add3A_517 : i32 to index
        %get3A_519 = arith.constant 16 : index
        %get3A_520 = tpu.vector_load %arg11[%get3A_518, %get3A_519] {strides = array<i32>} : memref<1664x32xf32, #tpu.memory_space<vmem>>, vector<16xf32>,
        %add3A_521 = arith.addf %add3A_509, %get3A_520 : vector<16xf32>
        %add3A_522 = arith.constant 1216 : i32
        %add3A_523 = arith.addi %add3A_522, %scan3A_62 : i32
        %get3A_524 = arith.index_cast %add3A_523 : i32 to index
        %get3A_525 = arith.constant 0 : index
        %get3A_526 = tpu.vector_load %arg11[%get3A_524, %get3A_525] {strides = array<i32>} : memref<1664x32xf32, #tpu.memory_space<vmem>>, vector<16xf32>,
        %add3A_527 = arith.addf %add3A_515, %get3A_526 : vector<16xf32>
        %add3A_528 = arith.constant 1216 : i32
        %add3A_529 = arith.addi %add3A_528, %scan3A_62 : i32
        %get3A_530 = arith.index_cast %add3A_529 : i32 to index
        %get3A_531 = arith.constant 16 : index
        %get3A_532 = tpu.vector_load %arg11[%get3A_530, %get3A_531] {strides = array<i32>} : memref<1664x32xf32, #tpu.memory_space<vmem>>, vector<16xf32>,
        %add3A_533 = arith.addf %add3A_521, %get3A_532 : vector<16xf32>
        %add3A_534 = arith.constant 1248 : i32
        %add3A_535 = arith.addi %add3A_534, %scan3A_62 : i32
        %get3A_536 = arith.index_cast %add3A_535 : i32 to index
        %get3A_537 = arith.constant 0 : index
        %get3A_538 = tpu.vector_load %arg11[%get3A_536, %get3A_537] {strides = array<i32>} : memref<1664x32xf32, #tpu.memory_space<vmem>>, vector<16xf32>,
        %add3A_539 = arith.addf %add3A_527, %get3A_538 : vector<16xf32>
        %add3A_540 = arith.constant 1248 : i32
        %add3A_541 = arith.addi %add3A_540, %scan3A_62 : i32
        %get3A_542 = arith.index_cast %add3A_541 : i32 to index
        %get3A_543 = arith.constant 16 : index
        %get3A_544 = tpu.vector_load %arg11[%get3A_542, %get3A_543] {strides = array<i32>} : memref<1664x32xf32, #tpu.memory_space<vmem>>, vector<16xf32>,
        %add3A_545 = arith.addf %add3A_533, %get3A_544 : vector<16xf32>
        %add3A_546 = arith.constant 1280 : i32
        %add3A_547 = arith.addi %add3A_546, %scan3A_62 : i32
        %get3A_548 = arith.index_cast %add3A_547 : i32 to index
        %get3A_549 = arith.constant 0 : index
        %get3A_550 = tpu.vector_load %arg11[%get3A_548, %get3A_549] {strides = array<i32>} : memref<1664x32xf32, #tpu.memory_space<vmem>>, vector<16xf32>,
        %add3A_551 = arith.addf %add3A_539, %get3A_550 : vector<16xf32>
        %add3A_552 = arith.constant 1280 : i32
        %add3A_553 = arith.addi %add3A_552, %scan3A_62 : i32
        %get3A_554 = arith.index_cast %add3A_553 : i32 to index
        %get3A_555 = arith.constant 16 : index
        %get3A_556 = tpu.vector_load %arg11[%get3A_554, %get3A_555] {strides = array<i32>} : memref<1664x32xf32, #tpu.memory_space<vmem>>, vector<16xf32>,
        %add3A_557 = arith.addf %add3A_545, %get3A_556 : vector<16xf32>
        %add3A_558 = arith.constant 1312 : i32
        %add3A_559 = arith.addi %add3A_558, %scan3A_62 : i32
        %get3A_560 = arith.index_cast %add3A_559 : i32 to index
        %get3A_561 = arith.constant 0 : index
        %get3A_562 = tpu.vector_load %arg11[%get3A_560, %get3A_561] {strides = array<i32>} : memref<1664x32xf32, #tpu.memory_space<vmem>>, vector<16xf32>,
        %add3A_563 = arith.addf %add3A_551, %get3A_562 : vector<16xf32>
        %add3A_564 = arith.constant 1312 : i32
        %add3A_565 = arith.addi %add3A_564, %scan3A_62 : i32
        %get3A_566 = arith.index_cast %add3A_565 : i32 to index
        %get3A_567 = arith.constant 16 : index
        %get3A_568 = tpu.vector_load %arg11[%get3A_566, %get3A_567] {strides = array<i32>} : memref<1664x32xf32, #tpu.memory_space<vmem>>, vector<16xf32>,
        %add3A_569 = arith.addf %add3A_557, %get3A_568 : vector<16xf32>
        %add3A_570 = arith.constant 1344 : i32
        %add3A_571 = arith.addi %add3A_570, %scan3A_62 : i32
        %get3A_572 = arith.index_cast %add3A_571 : i32 to index
        %get3A_573 = arith.constant 0 : index
        %get3A_574 = tpu.vector_load %arg11[%get3A_572, %get3A_573] {strides = array<i32>} : memref<1664x32xf32, #tpu.memory_space<vmem>>, vector<16xf32>,
        %add3A_575 = arith.addf %add3A_563, %get3A_574 : vector<16xf32>
        %add3A_576 = arith.constant 1344 : i32
        %add3A_577 = arith.addi %add3A_576, %scan3A_62 : i32
        %get3A_578 = arith.index_cast %add3A_577 : i32 to index
        %get3A_579 = arith.constant 16 : index
        %get3A_580 = tpu.vector_load %arg11[%get3A_578, %get3A_579] {strides = array<i32>} : memref<1664x32xf32, #tpu.memory_space<vmem>>, vector<16xf32>,
        %add3A_581 = arith.addf %add3A_569, %get3A_580 : vector<16xf32>
        %add3A_582 = arith.constant 1376 : i32
        %add3A_583 = arith.addi %add3A_582, %scan3A_62 : i32
        %get3A_584 = arith.index_cast %add3A_583 : i32 to index
        %get3A_585 = arith.constant 0 : index
        %get3A_586 = tpu.vector_load %arg11[%get3A_584, %get3A_585] {strides = array<i32>} : memref<1664x32xf32, #tpu.memory_space<vmem>>, vector<16xf32>,
        %add3A_587 = arith.addf %add3A_575, %get3A_586 : vector<16xf32>
        %add3A_588 = arith.constant 1376 : i32
        %add3A_589 = arith.addi %add3A_588, %scan3A_62 : i32
        %get3A_590 = arith.index_cast %add3A_589 : i32 to index
        %get3A_591 = arith.constant 16 : index
        %get3A_592 = tpu.vector_load %arg11[%get3A_590, %get3A_591] {strides = array<i32>} : memref<1664x32xf32, #tpu.memory_space<vmem>>, vector<16xf32>,
        %add3A_593 = arith.addf %add3A_581, %get3A_592 : vector<16xf32>
        %add3A_594 = arith.constant 1408 : i32
        %add3A_595 = arith.addi %add3A_594, %scan3A_62 : i32
        %get3A_596 = arith.index_cast %add3A_595 : i32 to index
        %get3A_597 = arith.constant 0 : index
        %get3A_598 = tpu.vector_load %arg11[%get3A_596, %get3A_597] {strides = array<i32>} : memref<1664x32xf32, #tpu.memory_space<vmem>>, vector<16xf32>,
        %add3A_599 = arith.addf %add3A_587, %get3A_598 : vector<16xf32>
        %add3A_600 = arith.constant 1408 : i32
        %add3A_601 = arith.addi %add3A_600, %scan3A_62 : i32
        %get3A_602 = arith.index_cast %add3A_601 : i32 to index
        %get3A_603 = arith.constant 16 : index
        %get3A_604 = tpu.vector_load %arg11[%get3A_602, %get3A_603] {strides = array<i32>} : memref<1664x32xf32, #tpu.memory_space<vmem>>, vector<16xf32>,
        %add3A_605 = arith.addf %add3A_593, %get3A_604 : vector<16xf32>
        %add3A_606 = arith.constant 1440 : i32
        %add3A_607 = arith.addi %add3A_606, %scan3A_62 : i32
        %get3A_608 = arith.index_cast %add3A_607 : i32 to index
        %get3A_609 = arith.constant 0 : index
        %get3A_610 = tpu.vector_load %arg11[%get3A_608, %get3A_609] {strides = array<i32>} : memref<1664x32xf32, #tpu.memory_space<vmem>>, vector<16xf32>,
        %add3A_611 = arith.addf %add3A_599, %get3A_610 : vector<16xf32>
        %add3A_612 = arith.constant 1440 : i32
        %add3A_613 = arith.addi %add3A_612, %scan3A_62 : i32
        %get3A_614 = arith.index_cast %add3A_613 : i32 to index
        %get3A_615 = arith.constant 16 : index
        %get3A_616 = tpu.vector_load %arg11[%get3A_614, %get3A_615] {strides = array<i32>} : memref<1664x32xf32, #tpu.memory_space<vmem>>, vector<16xf32>,
        %add3A_617 = arith.addf %add3A_605, %get3A_616 : vector<16xf32>
        %add3A_618 = arith.constant 1472 : i32
        %add3A_619 = arith.addi %add3A_618, %scan3A_62 : i32
        %get3A_620 = arith.index_cast %add3A_619 : i32 to index
        %get3A_621 = arith.constant 0 : index
        %get3A_622 = tpu.vector_load %arg11[%get3A_620, %get3A_621] {strides = array<i32>} : memref<1664x32xf32, #tpu.memory_space<vmem>>, vector<16xf32>,
        %add3A_623 = arith.addf %add3A_611, %get3A_622 : vector<16xf32>
        %add3A_624 = arith.constant 1472 : i32
        %add3A_625 = arith.addi %add3A_624, %scan3A_62 : i32
        %get3A_626 = arith.index_cast %add3A_625 : i32 to index
        %get3A_627 = arith.constant 16 : index
        %get3A_628 = tpu.vector_load %arg11[%get3A_626, %get3A_627] {strides = array<i32>} : memref<1664x32xf32, #tpu.memory_space<vmem>>, vector<16xf32>,
        %add3A_629 = arith.addf %add3A_617, %get3A_628 : vector<16xf32>
        %add3A_630 = arith.constant 1504 : i32
        %add3A_631 = arith.addi %add3A_630, %scan3A_62 : i32
        %get3A_632 = arith.index_cast %add3A_631 : i32 to index
        %get3A_633 = arith.constant 0 : index
        %get3A_634 = tpu.vector_load %arg11[%get3A_632, %get3A_633] {strides = array<i32>} : memref<1664x32xf32, #tpu.memory_space<vmem>>, vector<16xf32>,
        %add3A_635 = arith.addf %add3A_623, %get3A_634 : vector<16xf32>
        %add3A_636 = arith.constant 1504 : i32
        %add3A_637 = arith.addi %add3A_636, %scan3A_62 : i32
        %get3A_638 = arith.index_cast %add3A_637 : i32 to index
        %get3A_639 = arith.constant 16 : index
        %get3A_640 = tpu.vector_load %arg11[%get3A_638, %get3A_639] {strides = array<i32>} : memref<1664x32xf32, #tpu.memory_space<vmem>>, vector<16xf32>,
        %add3A_641 = arith.addf %add3A_629, %get3A_640 : vector<16xf32>
        %add3A_642 = arith.constant 1536 : i32
        %add3A_643 = arith.addi %add3A_642, %scan3A_62 : i32
        %get3A_644 = arith.index_cast %add3A_643 : i32 to index
        %get3A_645 = arith.constant 0 : index
        %get3A_646 = tpu.vector_load %arg11[%get3A_644, %get3A_645] {strides = array<i32>} : memref<1664x32xf32, #tpu.memory_space<vmem>>, vector<16xf32>,
        %add3A_647 = arith.addf %add3A_635, %get3A_646 : vector<16xf32>
        %add3A_648 = arith.constant 1536 : i32
        %add3A_649 = arith.addi %add3A_648, %scan3A_62 : i32
        %get3A_650 = arith.index_cast %add3A_649 : i32 to index
        %get3A_651 = arith.constant 16 : index
        %get3A_652 = tpu.vector_load %arg11[%get3A_650, %get3A_651] {strides = array<i32>} : memref<1664x32xf32, #tpu.memory_space<vmem>>, vector<16xf32>,
        %add3A_653 = arith.addf %add3A_641, %get3A_652 : vector<16xf32>
        %add3A_654 = arith.constant 1568 : i32
        %add3A_655 = arith.addi %add3A_654, %scan3A_62 : i32
        %get3A_656 = arith.index_cast %add3A_655 : i32 to index
        %get3A_657 = arith.constant 0 : index
        %get3A_658 = tpu.vector_load %arg11[%get3A_656, %get3A_657] {strides = array<i32>} : memref<1664x32xf32, #tpu.memory_space<vmem>>, vector<16xf32>,
        %add3A_659 = arith.addf %add3A_647, %get3A_658 : vector<16xf32>
        %add3A_660 = arith.constant 1568 : i32
        %add3A_661 = arith.addi %add3A_660, %scan3A_62 : i32
        %get3A_662 = arith.index_cast %add3A_661 : i32 to index
        %get3A_663 = arith.constant 16 : index
        %get3A_664 = tpu.vector_load %arg11[%get3A_662, %get3A_663] {strides = array<i32>} : memref<1664x32xf32, #tpu.memory_space<vmem>>, vector<16xf32>,
        %add3A_665 = arith.addf %add3A_653, %get3A_664 : vector<16xf32>
        %mul3A_666 = vector.broadcast %scan3A_13 : f32 to vector<16xf32>
        %mul3A_667 = arith.mulf %add3A_659, %mul3A_666 : vector<16xf32>
        %mul3A_668 = vector.broadcast %scan3A_13 : f32 to vector<16xf32>
        %mul3A_669 = arith.mulf %add3A_665, %mul3A_668 : vector<16xf32>
        %get3A_670 = arith.index_cast %scan3A_62 : i32 to index
        %get3A_671 = arith.constant 0 : index
        %get3A_672 = tpu.vector_load %arg17[%get3A_670, %get3A_671] {strides = array<i32>} : memref<32x32xf32, #tpu.memory_space<vmem>>, vector<16xf32>,
        %get3A_673 = arith.index_cast %scan3A_62 : i32 to index
        %get3A_674 = arith.constant 16 : index
        %get3A_675 = tpu.vector_load %arg17[%get3A_673, %get3A_674] {strides = array<i32>} : memref<32x32xf32, #tpu.memory_space<vmem>>, vector<16xf32>,
        %swap3A = arith.index_cast %scan3A_62 : i32 to index
        %swap3A_676 = arith.constant 0 : index
        %swap3A_677 = tpu.vector_load %arg15[%swap3A, %swap3A_676] {strides = array<i32>} : memref<32x96xf32, #tpu.memory_space<vmem>>, vector<16xf32>,
        tpu.vector_store %arg15[%swap3A, %swap3A_676], %mul3A_667 {strides = array<i32>} : memref<32x96xf32, #tpu.memory_space<vmem>>, vector<16xf32>,
        %swap3A_678 = arith.index_cast %scan3A_62 : i32 to index
        %swap3A_679 = arith.constant 16 : index
        %swap3A_680 = tpu.vector_load %arg15[%swap3A_678, %swap3A_679] {strides = array<i32>} : memref<32x96xf32, #tpu.memory_space<vmem>>, vector<16xf32>,
        tpu.vector_store %arg15[%swap3A_678, %swap3A_679], %mul3A_669 {strides = array<i32>} : memref<32x96xf32, #tpu.memory_space<vmem>>, vector<16xf32>,
        %mul3A_681 = arith.mulf %mul3A_667, %get3A_672 : vector<16xf32>
        %swap3A_682 = arith.index_cast %scan3A_62 : i32 to index
        %swap3A_683 = arith.constant 32 : index
        %swap3A_684 = tpu.vector_load %arg15[%swap3A_682, %swap3A_683] {strides = array<i32>} : memref<32x96xf32, #tpu.memory_space<vmem>>, vector<16xf32>,
        tpu.vector_store %arg15[%swap3A_682, %swap3A_683], %mul3A_681 {strides = array<i32>} : memref<32x96xf32, #tpu.memory_space<vmem>>, vector<16xf32>,
        %mul3A_685 = arith.mulf %mul3A_669, %get3A_675 : vector<16xf32>
        %swap3A_686 = arith.index_cast %scan3A_62 : i32 to index
        %swap3A_687 = arith.constant 48 : index
        %swap3A_688 = tpu.vector_load %arg15[%swap3A_686, %swap3A_687] {strides = array<i32>} : memref<32x96xf32, #tpu.memory_space<vmem>>, vector<16xf32>,
        tpu.vector_store %arg15[%swap3A_686, %swap3A_687], %mul3A_685 {strides = array<i32>} : memref<32x96xf32, #tpu.memory_space<vmem>>, vector<16xf32>,
        %swap3A_689 = arith.index_cast %scan3A_62 : i32 to index
        %swap3A_690 = arith.constant 64 : index
        %swap3A_691 = tpu.vector_load %arg15[%swap3A_689, %swap3A_690] {strides = array<i32>} : memref<32x96xf32, #tpu.memory_space<vmem>>, vector<16xf32>,
        tpu.vector_store %arg15[%swap3A_689, %swap3A_690], %get3A_672 {strides = array<i32>} : memref<32x96xf32, #tpu.memory_space<vmem>>, vector<16xf32>,
        %swap3A_692 = arith.index_cast %scan3A_62 : i32 to index
        %swap3A_693 = arith.constant 80 : index
        %swap3A_694 = tpu.vector_load %arg15[%swap3A_692, %swap3A_693] {strides = array<i32>} : memref<32x96xf32, #tpu.memory_space<vmem>>, vector<16xf32>,
        tpu.vector_store %arg15[%swap3A_692, %swap3A_693], %get3A_675 {strides = array<i32>} : memref<32x96xf32, #tpu.memory_space<vmem>>, vector<16xf32>,
        %scan3A_695 = arith.constant 0 : i32
        scf.yield %scan3A_695 : i32
      }
      %scan3A_46 = arith.constant 32 : i32
      "tpu.region"() ({
        %run_scoped3A = tpu.sem_alloc : memref<!tpu.dma_semaphore, #tpu.memory_space<semaphore_mem>>
        %dma_start3A_62 = arith.constant 0 : i32
        %dma_start3A_63 = tpu.memref_slice %arg8[%add3A_31, %dma_start3A_62] : memref<16384x96xf32, #tpu.memory_space<hbm>> -> memref<32x96xf32, #tpu.memory_space<hbm>>
        %dma_start3A_64 = arith.constant 0 : i32
        %dma_start3A_65 = tpu.memref_slice %arg8[%add3A_31, %dma_start3A_64] : memref<16384x96xf32, #tpu.memory_space<hbm>> -> memref<32x96xf32, #tpu.memory_space<hbm>>
        tpu.enqueue_dma source(%arg15 : memref<32x96xf32, #tpu.memory_space<vmem>>) target(%dma_start3A_65 : memref<32x96xf32, #tpu.memory_space<hbm>>) target_semaphore(%run_scoped3A : memref<!tpu.dma_semaphore, #tpu.memory_space<semaphore_mem>>)
        %dma_wait3A_66 = arith.constant 0 : i32
        %dma_wait3A_67 = tpu.memref_slice %arg8[%add3A_31, %dma_wait3A_66] : memref<16384x96xf32, #tpu.memory_space<hbm>> -> memref<32x96xf32, #tpu.memory_space<hbm>>
        %dma_wait3A_68 = arith.constant 0 : i32
        %dma_wait3A_69 = tpu.memref_slice %arg8[%add3A_31, %dma_wait3A_68] : memref<16384x96xf32, #tpu.memory_space<hbm>> -> memref<32x96xf32, #tpu.memory_space<hbm>>
        tpu.wait_dma2 semaphore(%run_scoped3A : memref<!tpu.dma_semaphore, #tpu.memory_space<semaphore_mem>>) src(%arg15 : memref<32x96xf32, #tpu.memory_space<vmem>>) dst(%dma_wait3A_69 : memref<32x96xf32, #tpu.memory_space<hbm>>)
        tpu.yield
      }) : () -> ()
      %add3A_47 = arith.constant 2 : i32
      %add3A_48 = arith.addi %mul3A_24, %add3A_47 : i32
      %lt3A_49 = arith.constant 16 : i32
      %lt3A_50 = arith.cmpi slt, %add3A_48, %lt3A_49 : i32
      %convert_element_type3A_51 = arith.extui %lt3A_50 : i1 to i32
      %cond3A_52 = arith.constant 0 : i32
      %cond3A_53 = arith.cmpi ne, %convert_element_type3A_51, %cond3A_52 : i32
      scf.if %cond3A_53 {
        %add3A_62 = arith.constant 2 : i32
        %add3A_63 = arith.addi %mul3A_24, %add3A_62 : i32
        %mul3A_64 = arith.constant 32 : i32
        %mul3A_65 = arith.muli %add3A_63, %mul3A_64 : i32
        %add3A_66 = arith.addi %mul3A_2, %mul3A_65 : i32
        "tpu.region"() ({
          %run_scoped3A = tpu.sem_alloc : memref<!tpu.dma_semaphore, #tpu.memory_space<semaphore_mem>>
          %dma_start3A_77 = arith.constant 0 : i32
          %dma_start3A_78 = tpu.memref_slice %arg3[%dma_start3A_77, %add3A_66] : memref<50x16384xf32, #tpu.memory_space<hbm>> -> memref<50x32xf32, #tpu.memory_space<hbm>>
          %dma_start3A_79 = arith.constant 0 : i32
          %dma_start3A_80 = tpu.memref_slice %arg3[%dma_start3A_79, %add3A_66] : memref<50x16384xf32, #tpu.memory_space<hbm>> -> memref<50x32xf32, #tpu.memory_space<hbm>>
          tpu.enqueue_dma source(%dma_start3A_80 : memref<50x32xf32, #tpu.memory_space<hbm>>) target(%arg9 : memref<50x32xf32, #tpu.memory_space<vmem>>) target_semaphore(%run_scoped3A : memref<!tpu.dma_semaphore, #tpu.memory_space<semaphore_mem>>)
          %dma_wait3A_81 = arith.constant 0 : i32
          %dma_wait3A_82 = tpu.memref_slice %arg3[%dma_wait3A_81, %add3A_66] : memref<50x16384xf32, #tpu.memory_space<hbm>> -> memref<50x32xf32, #tpu.memory_space<hbm>>
          %dma_wait3A_83 = arith.constant 0 : i32
          %dma_wait3A_84 = tpu.memref_slice %arg3[%dma_wait3A_83, %add3A_66] : memref<50x16384xf32, #tpu.memory_space<hbm>> -> memref<50x32xf32, #tpu.memory_space<hbm>>
          tpu.wait_dma2 semaphore(%run_scoped3A : memref<!tpu.dma_semaphore, #tpu.memory_space<semaphore_mem>>) src(%dma_wait3A_84 : memref<50x32xf32, #tpu.memory_space<hbm>>) dst(%arg9 : memref<50x32xf32, #tpu.memory_space<vmem>>)
          tpu.yield
        }) : () -> ()
        %scan3A_67 = arith.constant 0 : i32
        %scan3A_68 = arith.constant 0 : i32
        %scan3A_69 = arith.constant 104 : i32
        %scan3A_70 = arith.addi %scan3A_68, %scan3A_69 : i32
        %scan3A_71 = arith.constant 1 : i32
        %scan3A_72 = scf.for %scan3A_77 = %scan3A_68 to %scan3A_70 step %scan3A_71 iter_args(%scan3A_78 = %scan3A_67) -> (i32)  : i32 {
          %mul3A_79 = arith.constant 16 : i32
          %mul3A_80 = arith.muli %scan3A_77, %mul3A_79 : i32
          %get3A = arith.index_cast %mul3A_80 : i32 to index
          %get3A_81 = tpu.vector_load %arg18[%get3A] {strides = array<i32>} : memref<1664xi32, #tpu.memory_space<vmem>>, vector<16xi32>,
          %get3A_82 = arith.index_cast %mul3A_80 : i32 to index
          %get3A_83 = tpu.vector_load %arg19[%get3A_82] {strides = array<i32>} : memref<1664xi32, #tpu.memory_space<vmem>>, vector<16xi32>,
          %gather3A = tpu.vector_load_idx %arg9[%get3A_81, %get3A_83] : memref<50x32xf32, #tpu.memory_space<vmem>>[vector<16xi32>, vector<16xi32>], vector<16xf32>,
          %convert_element_type3A_84 = arith.fptosi %gather3A : vector<16xf32> to vector<16xi32>
          %swap3A = arith.index_cast %mul3A_80 : i32 to index
          %swap3A_85 = tpu.vector_load %arg10[%swap3A] {strides = array<i32>} : memref<1664xi32, #tpu.memory_space<vmem>>, vector<16xi32>,
          tpu.vector_store %arg10[%swap3A], %convert_element_type3A_84 {strides = array<i32>} : memref<1664xi32, #tpu.memory_space<vmem>>, vector<16xi32>,
          %scan3A_86 = arith.constant 0 : i32
          scf.yield %scan3A_86 : i32
        }
        %scan3A_73 = arith.constant 104 : i32
        %dma_start3A_74 = arith.constant 0 : i32
        %dma_start3A_75 = arith.constant 0 : i32
        %dma_start3A_76 = tpu.memref_slice %arg5[%dma_start3A_74, %dma_start3A_75] : memref<1000001x32xf32, #tpu.memory_space<hbm>> -> memref<1000001x32xf32, #tpu.memory_space<hbm>>
        tpu.enqueue_indirect_dma source(%dma_start3A_76 : memref<1000001x32xf32, #tpu.memory_space<hbm>>) target(%arg11 : memref<1664x32xf32, #tpu.memory_space<vmem>>) offsets(%arg10 : memref<1664xi32, #tpu.memory_space<vmem>>) semaphore(%arg20 : memref<!tpu.dma_semaphore, #tpu.memory_space<semaphore_mem>>)
      } else {
      }
      %add3A_54 = arith.constant 1 : i32
      %add3A_55 = arith.addi %mul3A_24, %add3A_54 : i32
      %lt3A_56 = arith.constant 16 : i32
      %lt3A_57 = arith.cmpi slt, %add3A_55, %lt3A_56 : i32
      %convert_element_type3A_58 = arith.extui %lt3A_57 : i1 to i32
      %cond3A_59 = arith.constant 0 : i32
      %cond3A_60 = arith.cmpi ne, %convert_element_type3A_58, %cond3A_59 : i32
      scf.if %cond3A_60 {
        %add3A_62 = arith.constant 1 : i32
        %add3A_63 = arith.addi %mul3A_24, %add3A_62 : i32
        %mul3A_64 = arith.constant 32 : i32
        %mul3A_65 = arith.muli %add3A_63, %mul3A_64 : i32
        %add3A_66 = arith.addi %mul3A_2, %mul3A_65 : i32
        %dma_wait3A_67 = arith.constant 0 : i32
        %dma_wait3A_68 = arith.constant 0 : i32
        %dma_wait3A_69 = tpu.memref_slice %arg5[%dma_wait3A_67, %dma_wait3A_68] : memref<1000001x32xf32, #tpu.memory_space<hbm>> -> memref<1000001x32xf32, #tpu.memory_space<hbm>>
        tpu.wait_indirect_dma semaphore(%arg21 : memref<!tpu.dma_semaphore, #tpu.memory_space<semaphore_mem>>) src(%dma_wait3A_69 : memref<1000001x32xf32, #tpu.memory_space<hbm>>) dst(%arg14 : memref<1664x32xf32, #tpu.memory_space<vmem>>)
        "tpu.region"() ({
          %run_scoped3A = tpu.sem_alloc : memref<!tpu.dma_semaphore, #tpu.memory_space<semaphore_mem>>
          %dma_start3A_83 = tpu.memref_slice %arg2[%add3A_66] : memref<16384xi32, #tpu.memory_space<hbm>> -> memref<32xi32, #tpu.memory_space<hbm>>
          %dma_start3A_84 = tpu.memref_slice %arg2[%add3A_66] : memref<16384xi32, #tpu.memory_space<hbm>> -> memref<32xi32, #tpu.memory_space<hbm>>
          tpu.enqueue_dma source(%dma_start3A_84 : memref<32xi32, #tpu.memory_space<hbm>>) target(%arg16 : memref<32xi32, #tpu.memory_space<vmem>>) target_semaphore(%run_scoped3A : memref<!tpu.dma_semaphore, #tpu.memory_space<semaphore_mem>>)
          %dma_wait3A_85 = tpu.memref_slice %arg2[%add3A_66] : memref<16384xi32, #tpu.memory_space<hbm>> -> memref<32xi32, #tpu.memory_space<hbm>>
          %dma_wait3A_86 = tpu.memref_slice %arg2[%add3A_66] : memref<16384xi32, #tpu.memory_space<hbm>> -> memref<32xi32, #tpu.memory_space<hbm>>
          tpu.wait_dma2 semaphore(%run_scoped3A : memref<!tpu.dma_semaphore, #tpu.memory_space<semaphore_mem>>) src(%dma_wait3A_86 : memref<32xi32, #tpu.memory_space<hbm>>) dst(%arg16 : memref<32xi32, #tpu.memory_space<vmem>>)
          tpu.yield
        }) : () -> ()
        %dma_start3A_70 = arith.constant 0 : i32
        %dma_start3A_71 = arith.constant 0 : i32
        %dma_start3A_72 = tpu.memref_slice %arg4[%dma_start3A_70, %dma_start3A_71] : memref<100001x32xf32, #tpu.memory_space<hbm>> -> memref<100001x32xf32, #tpu.memory_space<hbm>>
        tpu.enqueue_indirect_dma source(%dma_start3A_72 : memref<100001x32xf32, #tpu.memory_space<hbm>>) target(%arg17 : memref<32x32xf32, #tpu.memory_space<vmem>>) offsets(%arg16 : memref<32xi32, #tpu.memory_space<vmem>>) semaphore(%arg22 : memref<!tpu.dma_semaphore, #tpu.memory_space<semaphore_mem>>)
        %dma_wait3A_73 = arith.constant 0 : i32
        %dma_wait3A_74 = arith.constant 0 : i32
        %dma_wait3A_75 = tpu.memref_slice %arg4[%dma_wait3A_73, %dma_wait3A_74] : memref<100001x32xf32, #tpu.memory_space<hbm>> -> memref<100001x32xf32, #tpu.memory_space<hbm>>
        tpu.wait_indirect_dma semaphore(%arg22 : memref<!tpu.dma_semaphore, #tpu.memory_space<semaphore_mem>>) src(%dma_wait3A_75 : memref<100001x32xf32, #tpu.memory_space<hbm>>) dst(%arg17 : memref<32x32xf32, #tpu.memory_space<vmem>>)
        %scan3A_76 = arith.constant 0 : i32
        %scan3A_77 = arith.constant 0 : i32
        %scan3A_78 = arith.constant 32 : i32
        %scan3A_79 = arith.addi %scan3A_77, %scan3A_78 : i32
        %scan3A_80 = arith.constant 1 : i32
        %scan3A_81 = scf.for %scan3A_83 = %scan3A_77 to %scan3A_79 step %scan3A_80 iter_args(%scan3A_84 = %scan3A_76) -> (i32)  : i32 {
          %broadcast_in_dim3A = arith.constant 0.000000e+00 : f32
          %broadcast_in_dim3A_85 = vector.broadcast %broadcast_in_dim3A : f32 to vector<16xf32>
          %broadcast_in_dim3A_86 = arith.constant 0.000000e+00 : f32
          %broadcast_in_dim3A_87 = vector.broadcast %broadcast_in_dim3A_86 : f32 to vector<16xf32>
          %add3A_88 = arith.constant 0 : i32
          %add3A_89 = arith.addi %add3A_88, %scan3A_83 : i32
          %get3A = arith.index_cast %add3A_89 : i32 to index
          %get3A_90 = arith.constant 0 : index
          %get3A_91 = tpu.vector_load %arg14[%get3A, %get3A_90] {strides = array<i32>} : memref<1664x32xf32, #tpu.memory_space<vmem>>, vector<16xf32>,
          %add3A_92 = arith.addf %broadcast_in_dim3A_85, %get3A_91 : vector<16xf32>
          %add3A_93 = arith.constant 0 : i32
          %add3A_94 = arith.addi %add3A_93, %scan3A_83 : i32
          %get3A_95 = arith.index_cast %add3A_94 : i32 to index
          %get3A_96 = arith.constant 16 : index
          %get3A_97 = tpu.vector_load %arg14[%get3A_95, %get3A_96] {strides = array<i32>} : memref<1664x32xf32, #tpu.memory_space<vmem>>, vector<16xf32>,
          %add3A_98 = arith.addf %broadcast_in_dim3A_87, %get3A_97 : vector<16xf32>
          %add3A_99 = arith.constant 32 : i32
          %add3A_100 = arith.addi %add3A_99, %scan3A_83 : i32
          %get3A_101 = arith.index_cast %add3A_100 : i32 to index
          %get3A_102 = arith.constant 0 : index
          %get3A_103 = tpu.vector_load %arg14[%get3A_101, %get3A_102] {strides = array<i32>} : memref<1664x32xf32, #tpu.memory_space<vmem>>, vector<16xf32>,
          %add3A_104 = arith.addf %add3A_92, %get3A_103 : vector<16xf32>
          %add3A_105 = arith.constant 32 : i32
          %add3A_106 = arith.addi %add3A_105, %scan3A_83 : i32
          %get3A_107 = arith.index_cast %add3A_106 : i32 to index
          %get3A_108 = arith.constant 16 : index
          %get3A_109 = tpu.vector_load %arg14[%get3A_107, %get3A_108] {strides = array<i32>} : memref<1664x32xf32, #tpu.memory_space<vmem>>, vector<16xf32>,
          %add3A_110 = arith.addf %add3A_98, %get3A_109 : vector<16xf32>
          %add3A_111 = arith.constant 64 : i32
          %add3A_112 = arith.addi %add3A_111, %scan3A_83 : i32
          %get3A_113 = arith.index_cast %add3A_112 : i32 to index
          %get3A_114 = arith.constant 0 : index
          %get3A_115 = tpu.vector_load %arg14[%get3A_113, %get3A_114] {strides = array<i32>} : memref<1664x32xf32, #tpu.memory_space<vmem>>, vector<16xf32>,
          %add3A_116 = arith.addf %add3A_104, %get3A_115 : vector<16xf32>
          %add3A_117 = arith.constant 64 : i32
          %add3A_118 = arith.addi %add3A_117, %scan3A_83 : i32
          %get3A_119 = arith.index_cast %add3A_118 : i32 to index
          %get3A_120 = arith.constant 16 : index
          %get3A_121 = tpu.vector_load %arg14[%get3A_119, %get3A_120] {strides = array<i32>} : memref<1664x32xf32, #tpu.memory_space<vmem>>, vector<16xf32>,
          %add3A_122 = arith.addf %add3A_110, %get3A_121 : vector<16xf32>
          %add3A_123 = arith.constant 96 : i32
          %add3A_124 = arith.addi %add3A_123, %scan3A_83 : i32
          %get3A_125 = arith.index_cast %add3A_124 : i32 to index
          %get3A_126 = arith.constant 0 : index
          %get3A_127 = tpu.vector_load %arg14[%get3A_125, %get3A_126] {strides = array<i32>} : memref<1664x32xf32, #tpu.memory_space<vmem>>, vector<16xf32>,
          %add3A_128 = arith.addf %add3A_116, %get3A_127 : vector<16xf32>
          %add3A_129 = arith.constant 96 : i32
          %add3A_130 = arith.addi %add3A_129, %scan3A_83 : i32
          %get3A_131 = arith.index_cast %add3A_130 : i32 to index
          %get3A_132 = arith.constant 16 : index
          %get3A_133 = tpu.vector_load %arg14[%get3A_131, %get3A_132] {strides = array<i32>} : memref<1664x32xf32, #tpu.memory_space<vmem>>, vector<16xf32>,
          %add3A_134 = arith.addf %add3A_122, %get3A_133 : vector<16xf32>
          %add3A_135 = arith.constant 128 : i32
          %add3A_136 = arith.addi %add3A_135, %scan3A_83 : i32
          %get3A_137 = arith.index_cast %add3A_136 : i32 to index
          %get3A_138 = arith.constant 0 : index
          %get3A_139 = tpu.vector_load %arg14[%get3A_137, %get3A_138] {strides = array<i32>} : memref<1664x32xf32, #tpu.memory_space<vmem>>, vector<16xf32>,
          %add3A_140 = arith.addf %add3A_128, %get3A_139 : vector<16xf32>
          %add3A_141 = arith.constant 128 : i32
          %add3A_142 = arith.addi %add3A_141, %scan3A_83 : i32
          %get3A_143 = arith.index_cast %add3A_142 : i32 to index
          %get3A_144 = arith.constant 16 : index
          %get3A_145 = tpu.vector_load %arg14[%get3A_143, %get3A_144] {strides = array<i32>} : memref<1664x32xf32, #tpu.memory_space<vmem>>, vector<16xf32>,
          %add3A_146 = arith.addf %add3A_134, %get3A_145 : vector<16xf32>
          %add3A_147 = arith.constant 160 : i32
          %add3A_148 = arith.addi %add3A_147, %scan3A_83 : i32
          %get3A_149 = arith.index_cast %add3A_148 : i32 to index
          %get3A_150 = arith.constant 0 : index
          %get3A_151 = tpu.vector_load %arg14[%get3A_149, %get3A_150] {strides = array<i32>} : memref<1664x32xf32, #tpu.memory_space<vmem>>, vector<16xf32>,
          %add3A_152 = arith.addf %add3A_140, %get3A_151 : vector<16xf32>
          %add3A_153 = arith.constant 160 : i32
          %add3A_154 = arith.addi %add3A_153, %scan3A_83 : i32
          %get3A_155 = arith.index_cast %add3A_154 : i32 to index
          %get3A_156 = arith.constant 16 : index
          %get3A_157 = tpu.vector_load %arg14[%get3A_155, %get3A_156] {strides = array<i32>} : memref<1664x32xf32, #tpu.memory_space<vmem>>, vector<16xf32>,
          %add3A_158 = arith.addf %add3A_146, %get3A_157 : vector<16xf32>
          %add3A_159 = arith.constant 192 : i32
          %add3A_160 = arith.addi %add3A_159, %scan3A_83 : i32
          %get3A_161 = arith.index_cast %add3A_160 : i32 to index
          %get3A_162 = arith.constant 0 : index
          %get3A_163 = tpu.vector_load %arg14[%get3A_161, %get3A_162] {strides = array<i32>} : memref<1664x32xf32, #tpu.memory_space<vmem>>, vector<16xf32>,
          %add3A_164 = arith.addf %add3A_152, %get3A_163 : vector<16xf32>
          %add3A_165 = arith.constant 192 : i32
          %add3A_166 = arith.addi %add3A_165, %scan3A_83 : i32
          %get3A_167 = arith.index_cast %add3A_166 : i32 to index
          %get3A_168 = arith.constant 16 : index
          %get3A_169 = tpu.vector_load %arg14[%get3A_167, %get3A_168] {strides = array<i32>} : memref<1664x32xf32, #tpu.memory_space<vmem>>, vector<16xf32>,
          %add3A_170 = arith.addf %add3A_158, %get3A_169 : vector<16xf32>
          %add3A_171 = arith.constant 224 : i32
          %add3A_172 = arith.addi %add3A_171, %scan3A_83 : i32
          %get3A_173 = arith.index_cast %add3A_172 : i32 to index
          %get3A_174 = arith.constant 0 : index
          %get3A_175 = tpu.vector_load %arg14[%get3A_173, %get3A_174] {strides = array<i32>} : memref<1664x32xf32, #tpu.memory_space<vmem>>, vector<16xf32>,
          %add3A_176 = arith.addf %add3A_164, %get3A_175 : vector<16xf32>
          %add3A_177 = arith.constant 224 : i32
          %add3A_178 = arith.addi %add3A_177, %scan3A_83 : i32
          %get3A_179 = arith.index_cast %add3A_178 : i32 to index
          %get3A_180 = arith.constant 16 : index
          %get3A_181 = tpu.vector_load %arg14[%get3A_179, %get3A_180] {strides = array<i32>} : memref<1664x32xf32, #tpu.memory_space<vmem>>, vector<16xf32>,
          %add3A_182 = arith.addf %add3A_170, %get3A_181 : vector<16xf32>
          %add3A_183 = arith.constant 256 : i32
          %add3A_184 = arith.addi %add3A_183, %scan3A_83 : i32
          %get3A_185 = arith.index_cast %add3A_184 : i32 to index
          %get3A_186 = arith.constant 0 : index
          %get3A_187 = tpu.vector_load %arg14[%get3A_185, %get3A_186] {strides = array<i32>} : memref<1664x32xf32, #tpu.memory_space<vmem>>, vector<16xf32>,
          %add3A_188 = arith.addf %add3A_176, %get3A_187 : vector<16xf32>
          %add3A_189 = arith.constant 256 : i32
          %add3A_190 = arith.addi %add3A_189, %scan3A_83 : i32
          %get3A_191 = arith.index_cast %add3A_190 : i32 to index
          %get3A_192 = arith.constant 16 : index
          %get3A_193 = tpu.vector_load %arg14[%get3A_191, %get3A_192] {strides = array<i32>} : memref<1664x32xf32, #tpu.memory_space<vmem>>, vector<16xf32>,
          %add3A_194 = arith.addf %add3A_182, %get3A_193 : vector<16xf32>
          %add3A_195 = arith.constant 288 : i32
          %add3A_196 = arith.addi %add3A_195, %scan3A_83 : i32
          %get3A_197 = arith.index_cast %add3A_196 : i32 to index
          %get3A_198 = arith.constant 0 : index
          %get3A_199 = tpu.vector_load %arg14[%get3A_197, %get3A_198] {strides = array<i32>} : memref<1664x32xf32, #tpu.memory_space<vmem>>, vector<16xf32>,
          %add3A_200 = arith.addf %add3A_188, %get3A_199 : vector<16xf32>
          %add3A_201 = arith.constant 288 : i32
          %add3A_202 = arith.addi %add3A_201, %scan3A_83 : i32
          %get3A_203 = arith.index_cast %add3A_202 : i32 to index
          %get3A_204 = arith.constant 16 : index
          %get3A_205 = tpu.vector_load %arg14[%get3A_203, %get3A_204] {strides = array<i32>} : memref<1664x32xf32, #tpu.memory_space<vmem>>, vector<16xf32>,
          %add3A_206 = arith.addf %add3A_194, %get3A_205 : vector<16xf32>
          %add3A_207 = arith.constant 320 : i32
          %add3A_208 = arith.addi %add3A_207, %scan3A_83 : i32
          %get3A_209 = arith.index_cast %add3A_208 : i32 to index
          %get3A_210 = arith.constant 0 : index
          %get3A_211 = tpu.vector_load %arg14[%get3A_209, %get3A_210] {strides = array<i32>} : memref<1664x32xf32, #tpu.memory_space<vmem>>, vector<16xf32>,
          %add3A_212 = arith.addf %add3A_200, %get3A_211 : vector<16xf32>
          %add3A_213 = arith.constant 320 : i32
          %add3A_214 = arith.addi %add3A_213, %scan3A_83 : i32
          %get3A_215 = arith.index_cast %add3A_214 : i32 to index
          %get3A_216 = arith.constant 16 : index
          %get3A_217 = tpu.vector_load %arg14[%get3A_215, %get3A_216] {strides = array<i32>} : memref<1664x32xf32, #tpu.memory_space<vmem>>, vector<16xf32>,
          %add3A_218 = arith.addf %add3A_206, %get3A_217 : vector<16xf32>
          %add3A_219 = arith.constant 352 : i32
          %add3A_220 = arith.addi %add3A_219, %scan3A_83 : i32
          %get3A_221 = arith.index_cast %add3A_220 : i32 to index
          %get3A_222 = arith.constant 0 : index
          %get3A_223 = tpu.vector_load %arg14[%get3A_221, %get3A_222] {strides = array<i32>} : memref<1664x32xf32, #tpu.memory_space<vmem>>, vector<16xf32>,
          %add3A_224 = arith.addf %add3A_212, %get3A_223 : vector<16xf32>
          %add3A_225 = arith.constant 352 : i32
          %add3A_226 = arith.addi %add3A_225, %scan3A_83 : i32
          %get3A_227 = arith.index_cast %add3A_226 : i32 to index
          %get3A_228 = arith.constant 16 : index
          %get3A_229 = tpu.vector_load %arg14[%get3A_227, %get3A_228] {strides = array<i32>} : memref<1664x32xf32, #tpu.memory_space<vmem>>, vector<16xf32>,
          %add3A_230 = arith.addf %add3A_218, %get3A_229 : vector<16xf32>
          %add3A_231 = arith.constant 384 : i32
          %add3A_232 = arith.addi %add3A_231, %scan3A_83 : i32
          %get3A_233 = arith.index_cast %add3A_232 : i32 to index
          %get3A_234 = arith.constant 0 : index
          %get3A_235 = tpu.vector_load %arg14[%get3A_233, %get3A_234] {strides = array<i32>} : memref<1664x32xf32, #tpu.memory_space<vmem>>, vector<16xf32>,
          %add3A_236 = arith.addf %add3A_224, %get3A_235 : vector<16xf32>
          %add3A_237 = arith.constant 384 : i32
          %add3A_238 = arith.addi %add3A_237, %scan3A_83 : i32
          %get3A_239 = arith.index_cast %add3A_238 : i32 to index
          %get3A_240 = arith.constant 16 : index
          %get3A_241 = tpu.vector_load %arg14[%get3A_239, %get3A_240] {strides = array<i32>} : memref<1664x32xf32, #tpu.memory_space<vmem>>, vector<16xf32>,
          %add3A_242 = arith.addf %add3A_230, %get3A_241 : vector<16xf32>
          %add3A_243 = arith.constant 416 : i32
          %add3A_244 = arith.addi %add3A_243, %scan3A_83 : i32
          %get3A_245 = arith.index_cast %add3A_244 : i32 to index
          %get3A_246 = arith.constant 0 : index
          %get3A_247 = tpu.vector_load %arg14[%get3A_245, %get3A_246] {strides = array<i32>} : memref<1664x32xf32, #tpu.memory_space<vmem>>, vector<16xf32>,
          %add3A_248 = arith.addf %add3A_236, %get3A_247 : vector<16xf32>
          %add3A_249 = arith.constant 416 : i32
          %add3A_250 = arith.addi %add3A_249, %scan3A_83 : i32
          %get3A_251 = arith.index_cast %add3A_250 : i32 to index
          %get3A_252 = arith.constant 16 : index
          %get3A_253 = tpu.vector_load %arg14[%get3A_251, %get3A_252] {strides = array<i32>} : memref<1664x32xf32, #tpu.memory_space<vmem>>, vector<16xf32>,
          %add3A_254 = arith.addf %add3A_242, %get3A_253 : vector<16xf32>
          %add3A_255 = arith.constant 448 : i32
          %add3A_256 = arith.addi %add3A_255, %scan3A_83 : i32
          %get3A_257 = arith.index_cast %add3A_256 : i32 to index
          %get3A_258 = arith.constant 0 : index
          %get3A_259 = tpu.vector_load %arg14[%get3A_257, %get3A_258] {strides = array<i32>} : memref<1664x32xf32, #tpu.memory_space<vmem>>, vector<16xf32>,
          %add3A_260 = arith.addf %add3A_248, %get3A_259 : vector<16xf32>
          %add3A_261 = arith.constant 448 : i32
          %add3A_262 = arith.addi %add3A_261, %scan3A_83 : i32
          %get3A_263 = arith.index_cast %add3A_262 : i32 to index
          %get3A_264 = arith.constant 16 : index
          %get3A_265 = tpu.vector_load %arg14[%get3A_263, %get3A_264] {strides = array<i32>} : memref<1664x32xf32, #tpu.memory_space<vmem>>, vector<16xf32>,
          %add3A_266 = arith.addf %add3A_254, %get3A_265 : vector<16xf32>
          %add3A_267 = arith.constant 480 : i32
          %add3A_268 = arith.addi %add3A_267, %scan3A_83 : i32
          %get3A_269 = arith.index_cast %add3A_268 : i32 to index
          %get3A_270 = arith.constant 0 : index
          %get3A_271 = tpu.vector_load %arg14[%get3A_269, %get3A_270] {strides = array<i32>} : memref<1664x32xf32, #tpu.memory_space<vmem>>, vector<16xf32>,
          %add3A_272 = arith.addf %add3A_260, %get3A_271 : vector<16xf32>
          %add3A_273 = arith.constant 480 : i32
          %add3A_274 = arith.addi %add3A_273, %scan3A_83 : i32
          %get3A_275 = arith.index_cast %add3A_274 : i32 to index
          %get3A_276 = arith.constant 16 : index
          %get3A_277 = tpu.vector_load %arg14[%get3A_275, %get3A_276] {strides = array<i32>} : memref<1664x32xf32, #tpu.memory_space<vmem>>, vector<16xf32>,
          %add3A_278 = arith.addf %add3A_266, %get3A_277 : vector<16xf32>
          %add3A_279 = arith.constant 512 : i32
          %add3A_280 = arith.addi %add3A_279, %scan3A_83 : i32
          %get3A_281 = arith.index_cast %add3A_280 : i32 to index
          %get3A_282 = arith.constant 0 : index
          %get3A_283 = tpu.vector_load %arg14[%get3A_281, %get3A_282] {strides = array<i32>} : memref<1664x32xf32, #tpu.memory_space<vmem>>, vector<16xf32>,
          %add3A_284 = arith.addf %add3A_272, %get3A_283 : vector<16xf32>
          %add3A_285 = arith.constant 512 : i32
          %add3A_286 = arith.addi %add3A_285, %scan3A_83 : i32
          %get3A_287 = arith.index_cast %add3A_286 : i32 to index
          %get3A_288 = arith.constant 16 : index
          %get3A_289 = tpu.vector_load %arg14[%get3A_287, %get3A_288] {strides = array<i32>} : memref<1664x32xf32, #tpu.memory_space<vmem>>, vector<16xf32>,
          %add3A_290 = arith.addf %add3A_278, %get3A_289 : vector<16xf32>
          %add3A_291 = arith.constant 544 : i32
          %add3A_292 = arith.addi %add3A_291, %scan3A_83 : i32
          %get3A_293 = arith.index_cast %add3A_292 : i32 to index
          %get3A_294 = arith.constant 0 : index
          %get3A_295 = tpu.vector_load %arg14[%get3A_293, %get3A_294] {strides = array<i32>} : memref<1664x32xf32, #tpu.memory_space<vmem>>, vector<16xf32>,
          %add3A_296 = arith.addf %add3A_284, %get3A_295 : vector<16xf32>
          %add3A_297 = arith.constant 544 : i32
          %add3A_298 = arith.addi %add3A_297, %scan3A_83 : i32
          %get3A_299 = arith.index_cast %add3A_298 : i32 to index
          %get3A_300 = arith.constant 16 : index
          %get3A_301 = tpu.vector_load %arg14[%get3A_299, %get3A_300] {strides = array<i32>} : memref<1664x32xf32, #tpu.memory_space<vmem>>, vector<16xf32>,
          %add3A_302 = arith.addf %add3A_290, %get3A_301 : vector<16xf32>
          %add3A_303 = arith.constant 576 : i32
          %add3A_304 = arith.addi %add3A_303, %scan3A_83 : i32
          %get3A_305 = arith.index_cast %add3A_304 : i32 to index
          %get3A_306 = arith.constant 0 : index
          %get3A_307 = tpu.vector_load %arg14[%get3A_305, %get3A_306] {strides = array<i32>} : memref<1664x32xf32, #tpu.memory_space<vmem>>, vector<16xf32>,
          %add3A_308 = arith.addf %add3A_296, %get3A_307 : vector<16xf32>
          %add3A_309 = arith.constant 576 : i32
          %add3A_310 = arith.addi %add3A_309, %scan3A_83 : i32
          %get3A_311 = arith.index_cast %add3A_310 : i32 to index
          %get3A_312 = arith.constant 16 : index
          %get3A_313 = tpu.vector_load %arg14[%get3A_311, %get3A_312] {strides = array<i32>} : memref<1664x32xf32, #tpu.memory_space<vmem>>, vector<16xf32>,
          %add3A_314 = arith.addf %add3A_302, %get3A_313 : vector<16xf32>
          %add3A_315 = arith.constant 608 : i32
          %add3A_316 = arith.addi %add3A_315, %scan3A_83 : i32
          %get3A_317 = arith.index_cast %add3A_316 : i32 to index
          %get3A_318 = arith.constant 0 : index
          %get3A_319 = tpu.vector_load %arg14[%get3A_317, %get3A_318] {strides = array<i32>} : memref<1664x32xf32, #tpu.memory_space<vmem>>, vector<16xf32>,
          %add3A_320 = arith.addf %add3A_308, %get3A_319 : vector<16xf32>
          %add3A_321 = arith.constant 608 : i32
          %add3A_322 = arith.addi %add3A_321, %scan3A_83 : i32
          %get3A_323 = arith.index_cast %add3A_322 : i32 to index
          %get3A_324 = arith.constant 16 : index
          %get3A_325 = tpu.vector_load %arg14[%get3A_323, %get3A_324] {strides = array<i32>} : memref<1664x32xf32, #tpu.memory_space<vmem>>, vector<16xf32>,
          %add3A_326 = arith.addf %add3A_314, %get3A_325 : vector<16xf32>
          %add3A_327 = arith.constant 640 : i32
          %add3A_328 = arith.addi %add3A_327, %scan3A_83 : i32
          %get3A_329 = arith.index_cast %add3A_328 : i32 to index
          %get3A_330 = arith.constant 0 : index
          %get3A_331 = tpu.vector_load %arg14[%get3A_329, %get3A_330] {strides = array<i32>} : memref<1664x32xf32, #tpu.memory_space<vmem>>, vector<16xf32>,
          %add3A_332 = arith.addf %add3A_320, %get3A_331 : vector<16xf32>
          %add3A_333 = arith.constant 640 : i32
          %add3A_334 = arith.addi %add3A_333, %scan3A_83 : i32
          %get3A_335 = arith.index_cast %add3A_334 : i32 to index
          %get3A_336 = arith.constant 16 : index
          %get3A_337 = tpu.vector_load %arg14[%get3A_335, %get3A_336] {strides = array<i32>} : memref<1664x32xf32, #tpu.memory_space<vmem>>, vector<16xf32>,
          %add3A_338 = arith.addf %add3A_326, %get3A_337 : vector<16xf32>
          %add3A_339 = arith.constant 672 : i32
          %add3A_340 = arith.addi %add3A_339, %scan3A_83 : i32
          %get3A_341 = arith.index_cast %add3A_340 : i32 to index
          %get3A_342 = arith.constant 0 : index
          %get3A_343 = tpu.vector_load %arg14[%get3A_341, %get3A_342] {strides = array<i32>} : memref<1664x32xf32, #tpu.memory_space<vmem>>, vector<16xf32>,
          %add3A_344 = arith.addf %add3A_332, %get3A_343 : vector<16xf32>
          %add3A_345 = arith.constant 672 : i32
          %add3A_346 = arith.addi %add3A_345, %scan3A_83 : i32
          %get3A_347 = arith.index_cast %add3A_346 : i32 to index
          %get3A_348 = arith.constant 16 : index
          %get3A_349 = tpu.vector_load %arg14[%get3A_347, %get3A_348] {strides = array<i32>} : memref<1664x32xf32, #tpu.memory_space<vmem>>, vector<16xf32>,
          %add3A_350 = arith.addf %add3A_338, %get3A_349 : vector<16xf32>
          %add3A_351 = arith.constant 704 : i32
          %add3A_352 = arith.addi %add3A_351, %scan3A_83 : i32
          %get3A_353 = arith.index_cast %add3A_352 : i32 to index
          %get3A_354 = arith.constant 0 : index
          %get3A_355 = tpu.vector_load %arg14[%get3A_353, %get3A_354] {strides = array<i32>} : memref<1664x32xf32, #tpu.memory_space<vmem>>, vector<16xf32>,
          %add3A_356 = arith.addf %add3A_344, %get3A_355 : vector<16xf32>
          %add3A_357 = arith.constant 704 : i32
          %add3A_358 = arith.addi %add3A_357, %scan3A_83 : i32
          %get3A_359 = arith.index_cast %add3A_358 : i32 to index
          %get3A_360 = arith.constant 16 : index
          %get3A_361 = tpu.vector_load %arg14[%get3A_359, %get3A_360] {strides = array<i32>} : memref<1664x32xf32, #tpu.memory_space<vmem>>, vector<16xf32>,
          %add3A_362 = arith.addf %add3A_350, %get3A_361 : vector<16xf32>
          %add3A_363 = arith.constant 736 : i32
          %add3A_364 = arith.addi %add3A_363, %scan3A_83 : i32
          %get3A_365 = arith.index_cast %add3A_364 : i32 to index
          %get3A_366 = arith.constant 0 : index
          %get3A_367 = tpu.vector_load %arg14[%get3A_365, %get3A_366] {strides = array<i32>} : memref<1664x32xf32, #tpu.memory_space<vmem>>, vector<16xf32>,
          %add3A_368 = arith.addf %add3A_356, %get3A_367 : vector<16xf32>
          %add3A_369 = arith.constant 736 : i32
          %add3A_370 = arith.addi %add3A_369, %scan3A_83 : i32
          %get3A_371 = arith.index_cast %add3A_370 : i32 to index
          %get3A_372 = arith.constant 16 : index
          %get3A_373 = tpu.vector_load %arg14[%get3A_371, %get3A_372] {strides = array<i32>} : memref<1664x32xf32, #tpu.memory_space<vmem>>, vector<16xf32>,
          %add3A_374 = arith.addf %add3A_362, %get3A_373 : vector<16xf32>
          %add3A_375 = arith.constant 768 : i32
          %add3A_376 = arith.addi %add3A_375, %scan3A_83 : i32
          %get3A_377 = arith.index_cast %add3A_376 : i32 to index
          %get3A_378 = arith.constant 0 : index
          %get3A_379 = tpu.vector_load %arg14[%get3A_377, %get3A_378] {strides = array<i32>} : memref<1664x32xf32, #tpu.memory_space<vmem>>, vector<16xf32>,
          %add3A_380 = arith.addf %add3A_368, %get3A_379 : vector<16xf32>
          %add3A_381 = arith.constant 768 : i32
          %add3A_382 = arith.addi %add3A_381, %scan3A_83 : i32
          %get3A_383 = arith.index_cast %add3A_382 : i32 to index
          %get3A_384 = arith.constant 16 : index
          %get3A_385 = tpu.vector_load %arg14[%get3A_383, %get3A_384] {strides = array<i32>} : memref<1664x32xf32, #tpu.memory_space<vmem>>, vector<16xf32>,
          %add3A_386 = arith.addf %add3A_374, %get3A_385 : vector<16xf32>
          %add3A_387 = arith.constant 800 : i32
          %add3A_388 = arith.addi %add3A_387, %scan3A_83 : i32
          %get3A_389 = arith.index_cast %add3A_388 : i32 to index
          %get3A_390 = arith.constant 0 : index
          %get3A_391 = tpu.vector_load %arg14[%get3A_389, %get3A_390] {strides = array<i32>} : memref<1664x32xf32, #tpu.memory_space<vmem>>, vector<16xf32>,
          %add3A_392 = arith.addf %add3A_380, %get3A_391 : vector<16xf32>
          %add3A_393 = arith.constant 800 : i32
          %add3A_394 = arith.addi %add3A_393, %scan3A_83 : i32
          %get3A_395 = arith.index_cast %add3A_394 : i32 to index
          %get3A_396 = arith.constant 16 : index
          %get3A_397 = tpu.vector_load %arg14[%get3A_395, %get3A_396] {strides = array<i32>} : memref<1664x32xf32, #tpu.memory_space<vmem>>, vector<16xf32>,
          %add3A_398 = arith.addf %add3A_386, %get3A_397 : vector<16xf32>
          %add3A_399 = arith.constant 832 : i32
          %add3A_400 = arith.addi %add3A_399, %scan3A_83 : i32
          %get3A_401 = arith.index_cast %add3A_400 : i32 to index
          %get3A_402 = arith.constant 0 : index
          %get3A_403 = tpu.vector_load %arg14[%get3A_401, %get3A_402] {strides = array<i32>} : memref<1664x32xf32, #tpu.memory_space<vmem>>, vector<16xf32>,
          %add3A_404 = arith.addf %add3A_392, %get3A_403 : vector<16xf32>
          %add3A_405 = arith.constant 832 : i32
          %add3A_406 = arith.addi %add3A_405, %scan3A_83 : i32
          %get3A_407 = arith.index_cast %add3A_406 : i32 to index
          %get3A_408 = arith.constant 16 : index
          %get3A_409 = tpu.vector_load %arg14[%get3A_407, %get3A_408] {strides = array<i32>} : memref<1664x32xf32, #tpu.memory_space<vmem>>, vector<16xf32>,
          %add3A_410 = arith.addf %add3A_398, %get3A_409 : vector<16xf32>
          %add3A_411 = arith.constant 864 : i32
          %add3A_412 = arith.addi %add3A_411, %scan3A_83 : i32
          %get3A_413 = arith.index_cast %add3A_412 : i32 to index
          %get3A_414 = arith.constant 0 : index
          %get3A_415 = tpu.vector_load %arg14[%get3A_413, %get3A_414] {strides = array<i32>} : memref<1664x32xf32, #tpu.memory_space<vmem>>, vector<16xf32>,
          %add3A_416 = arith.addf %add3A_404, %get3A_415 : vector<16xf32>
          %add3A_417 = arith.constant 864 : i32
          %add3A_418 = arith.addi %add3A_417, %scan3A_83 : i32
          %get3A_419 = arith.index_cast %add3A_418 : i32 to index
          %get3A_420 = arith.constant 16 : index
          %get3A_421 = tpu.vector_load %arg14[%get3A_419, %get3A_420] {strides = array<i32>} : memref<1664x32xf32, #tpu.memory_space<vmem>>, vector<16xf32>,
          %add3A_422 = arith.addf %add3A_410, %get3A_421 : vector<16xf32>
          %add3A_423 = arith.constant 896 : i32
          %add3A_424 = arith.addi %add3A_423, %scan3A_83 : i32
          %get3A_425 = arith.index_cast %add3A_424 : i32 to index
          %get3A_426 = arith.constant 0 : index
          %get3A_427 = tpu.vector_load %arg14[%get3A_425, %get3A_426] {strides = array<i32>} : memref<1664x32xf32, #tpu.memory_space<vmem>>, vector<16xf32>,
          %add3A_428 = arith.addf %add3A_416, %get3A_427 : vector<16xf32>
          %add3A_429 = arith.constant 896 : i32
          %add3A_430 = arith.addi %add3A_429, %scan3A_83 : i32
          %get3A_431 = arith.index_cast %add3A_430 : i32 to index
          %get3A_432 = arith.constant 16 : index
          %get3A_433 = tpu.vector_load %arg14[%get3A_431, %get3A_432] {strides = array<i32>} : memref<1664x32xf32, #tpu.memory_space<vmem>>, vector<16xf32>,
          %add3A_434 = arith.addf %add3A_422, %get3A_433 : vector<16xf32>
          %add3A_435 = arith.constant 928 : i32
          %add3A_436 = arith.addi %add3A_435, %scan3A_83 : i32
          %get3A_437 = arith.index_cast %add3A_436 : i32 to index
          %get3A_438 = arith.constant 0 : index
          %get3A_439 = tpu.vector_load %arg14[%get3A_437, %get3A_438] {strides = array<i32>} : memref<1664x32xf32, #tpu.memory_space<vmem>>, vector<16xf32>,
          %add3A_440 = arith.addf %add3A_428, %get3A_439 : vector<16xf32>
          %add3A_441 = arith.constant 928 : i32
          %add3A_442 = arith.addi %add3A_441, %scan3A_83 : i32
          %get3A_443 = arith.index_cast %add3A_442 : i32 to index
          %get3A_444 = arith.constant 16 : index
          %get3A_445 = tpu.vector_load %arg14[%get3A_443, %get3A_444] {strides = array<i32>} : memref<1664x32xf32, #tpu.memory_space<vmem>>, vector<16xf32>,
          %add3A_446 = arith.addf %add3A_434, %get3A_445 : vector<16xf32>
          %add3A_447 = arith.constant 960 : i32
          %add3A_448 = arith.addi %add3A_447, %scan3A_83 : i32
          %get3A_449 = arith.index_cast %add3A_448 : i32 to index
          %get3A_450 = arith.constant 0 : index
          %get3A_451 = tpu.vector_load %arg14[%get3A_449, %get3A_450] {strides = array<i32>} : memref<1664x32xf32, #tpu.memory_space<vmem>>, vector<16xf32>,
          %add3A_452 = arith.addf %add3A_440, %get3A_451 : vector<16xf32>
          %add3A_453 = arith.constant 960 : i32
          %add3A_454 = arith.addi %add3A_453, %scan3A_83 : i32
          %get3A_455 = arith.index_cast %add3A_454 : i32 to index
          %get3A_456 = arith.constant 16 : index
          %get3A_457 = tpu.vector_load %arg14[%get3A_455, %get3A_456] {strides = array<i32>} : memref<1664x32xf32, #tpu.memory_space<vmem>>, vector<16xf32>,
          %add3A_458 = arith.addf %add3A_446, %get3A_457 : vector<16xf32>
          %add3A_459 = arith.constant 992 : i32
          %add3A_460 = arith.addi %add3A_459, %scan3A_83 : i32
          %get3A_461 = arith.index_cast %add3A_460 : i32 to index
          %get3A_462 = arith.constant 0 : index
          %get3A_463 = tpu.vector_load %arg14[%get3A_461, %get3A_462] {strides = array<i32>} : memref<1664x32xf32, #tpu.memory_space<vmem>>, vector<16xf32>,
          %add3A_464 = arith.addf %add3A_452, %get3A_463 : vector<16xf32>
          %add3A_465 = arith.constant 992 : i32
          %add3A_466 = arith.addi %add3A_465, %scan3A_83 : i32
          %get3A_467 = arith.index_cast %add3A_466 : i32 to index
          %get3A_468 = arith.constant 16 : index
          %get3A_469 = tpu.vector_load %arg14[%get3A_467, %get3A_468] {strides = array<i32>} : memref<1664x32xf32, #tpu.memory_space<vmem>>, vector<16xf32>,
          %add3A_470 = arith.addf %add3A_458, %get3A_469 : vector<16xf32>
          %add3A_471 = arith.constant 1024 : i32
          %add3A_472 = arith.addi %add3A_471, %scan3A_83 : i32
          %get3A_473 = arith.index_cast %add3A_472 : i32 to index
          %get3A_474 = arith.constant 0 : index
          %get3A_475 = tpu.vector_load %arg14[%get3A_473, %get3A_474] {strides = array<i32>} : memref<1664x32xf32, #tpu.memory_space<vmem>>, vector<16xf32>,
          %add3A_476 = arith.addf %add3A_464, %get3A_475 : vector<16xf32>
          %add3A_477 = arith.constant 1024 : i32
          %add3A_478 = arith.addi %add3A_477, %scan3A_83 : i32
          %get3A_479 = arith.index_cast %add3A_478 : i32 to index
          %get3A_480 = arith.constant 16 : index
          %get3A_481 = tpu.vector_load %arg14[%get3A_479, %get3A_480] {strides = array<i32>} : memref<1664x32xf32, #tpu.memory_space<vmem>>, vector<16xf32>,
          %add3A_482 = arith.addf %add3A_470, %get3A_481 : vector<16xf32>
          %add3A_483 = arith.constant 1056 : i32
          %add3A_484 = arith.addi %add3A_483, %scan3A_83 : i32
          %get3A_485 = arith.index_cast %add3A_484 : i32 to index
          %get3A_486 = arith.constant 0 : index
          %get3A_487 = tpu.vector_load %arg14[%get3A_485, %get3A_486] {strides = array<i32>} : memref<1664x32xf32, #tpu.memory_space<vmem>>, vector<16xf32>,
          %add3A_488 = arith.addf %add3A_476, %get3A_487 : vector<16xf32>
          %add3A_489 = arith.constant 1056 : i32
          %add3A_490 = arith.addi %add3A_489, %scan3A_83 : i32
          %get3A_491 = arith.index_cast %add3A_490 : i32 to index
          %get3A_492 = arith.constant 16 : index
          %get3A_493 = tpu.vector_load %arg14[%get3A_491, %get3A_492] {strides = array<i32>} : memref<1664x32xf32, #tpu.memory_space<vmem>>, vector<16xf32>,
          %add3A_494 = arith.addf %add3A_482, %get3A_493 : vector<16xf32>
          %add3A_495 = arith.constant 1088 : i32
          %add3A_496 = arith.addi %add3A_495, %scan3A_83 : i32
          %get3A_497 = arith.index_cast %add3A_496 : i32 to index
          %get3A_498 = arith.constant 0 : index
          %get3A_499 = tpu.vector_load %arg14[%get3A_497, %get3A_498] {strides = array<i32>} : memref<1664x32xf32, #tpu.memory_space<vmem>>, vector<16xf32>,
          %add3A_500 = arith.addf %add3A_488, %get3A_499 : vector<16xf32>
          %add3A_501 = arith.constant 1088 : i32
          %add3A_502 = arith.addi %add3A_501, %scan3A_83 : i32
          %get3A_503 = arith.index_cast %add3A_502 : i32 to index
          %get3A_504 = arith.constant 16 : index
          %get3A_505 = tpu.vector_load %arg14[%get3A_503, %get3A_504] {strides = array<i32>} : memref<1664x32xf32, #tpu.memory_space<vmem>>, vector<16xf32>,
          %add3A_506 = arith.addf %add3A_494, %get3A_505 : vector<16xf32>
          %add3A_507 = arith.constant 1120 : i32
          %add3A_508 = arith.addi %add3A_507, %scan3A_83 : i32
          %get3A_509 = arith.index_cast %add3A_508 : i32 to index
          %get3A_510 = arith.constant 0 : index
          %get3A_511 = tpu.vector_load %arg14[%get3A_509, %get3A_510] {strides = array<i32>} : memref<1664x32xf32, #tpu.memory_space<vmem>>, vector<16xf32>,
          %add3A_512 = arith.addf %add3A_500, %get3A_511 : vector<16xf32>
          %add3A_513 = arith.constant 1120 : i32
          %add3A_514 = arith.addi %add3A_513, %scan3A_83 : i32
          %get3A_515 = arith.index_cast %add3A_514 : i32 to index
          %get3A_516 = arith.constant 16 : index
          %get3A_517 = tpu.vector_load %arg14[%get3A_515, %get3A_516] {strides = array<i32>} : memref<1664x32xf32, #tpu.memory_space<vmem>>, vector<16xf32>,
          %add3A_518 = arith.addf %add3A_506, %get3A_517 : vector<16xf32>
          %add3A_519 = arith.constant 1152 : i32
          %add3A_520 = arith.addi %add3A_519, %scan3A_83 : i32
          %get3A_521 = arith.index_cast %add3A_520 : i32 to index
          %get3A_522 = arith.constant 0 : index
          %get3A_523 = tpu.vector_load %arg14[%get3A_521, %get3A_522] {strides = array<i32>} : memref<1664x32xf32, #tpu.memory_space<vmem>>, vector<16xf32>,
          %add3A_524 = arith.addf %add3A_512, %get3A_523 : vector<16xf32>
          %add3A_525 = arith.constant 1152 : i32
          %add3A_526 = arith.addi %add3A_525, %scan3A_83 : i32
          %get3A_527 = arith.index_cast %add3A_526 : i32 to index
          %get3A_528 = arith.constant 16 : index
          %get3A_529 = tpu.vector_load %arg14[%get3A_527, %get3A_528] {strides = array<i32>} : memref<1664x32xf32, #tpu.memory_space<vmem>>, vector<16xf32>,
          %add3A_530 = arith.addf %add3A_518, %get3A_529 : vector<16xf32>
          %add3A_531 = arith.constant 1184 : i32
          %add3A_532 = arith.addi %add3A_531, %scan3A_83 : i32
          %get3A_533 = arith.index_cast %add3A_532 : i32 to index
          %get3A_534 = arith.constant 0 : index
          %get3A_535 = tpu.vector_load %arg14[%get3A_533, %get3A_534] {strides = array<i32>} : memref<1664x32xf32, #tpu.memory_space<vmem>>, vector<16xf32>,
          %add3A_536 = arith.addf %add3A_524, %get3A_535 : vector<16xf32>
          %add3A_537 = arith.constant 1184 : i32
          %add3A_538 = arith.addi %add3A_537, %scan3A_83 : i32
          %get3A_539 = arith.index_cast %add3A_538 : i32 to index
          %get3A_540 = arith.constant 16 : index
          %get3A_541 = tpu.vector_load %arg14[%get3A_539, %get3A_540] {strides = array<i32>} : memref<1664x32xf32, #tpu.memory_space<vmem>>, vector<16xf32>,
          %add3A_542 = arith.addf %add3A_530, %get3A_541 : vector<16xf32>
          %add3A_543 = arith.constant 1216 : i32
          %add3A_544 = arith.addi %add3A_543, %scan3A_83 : i32
          %get3A_545 = arith.index_cast %add3A_544 : i32 to index
          %get3A_546 = arith.constant 0 : index
          %get3A_547 = tpu.vector_load %arg14[%get3A_545, %get3A_546] {strides = array<i32>} : memref<1664x32xf32, #tpu.memory_space<vmem>>, vector<16xf32>,
          %add3A_548 = arith.addf %add3A_536, %get3A_547 : vector<16xf32>
          %add3A_549 = arith.constant 1216 : i32
          %add3A_550 = arith.addi %add3A_549, %scan3A_83 : i32
          %get3A_551 = arith.index_cast %add3A_550 : i32 to index
          %get3A_552 = arith.constant 16 : index
          %get3A_553 = tpu.vector_load %arg14[%get3A_551, %get3A_552] {strides = array<i32>} : memref<1664x32xf32, #tpu.memory_space<vmem>>, vector<16xf32>,
          %add3A_554 = arith.addf %add3A_542, %get3A_553 : vector<16xf32>
          %add3A_555 = arith.constant 1248 : i32
          %add3A_556 = arith.addi %add3A_555, %scan3A_83 : i32
          %get3A_557 = arith.index_cast %add3A_556 : i32 to index
          %get3A_558 = arith.constant 0 : index
          %get3A_559 = tpu.vector_load %arg14[%get3A_557, %get3A_558] {strides = array<i32>} : memref<1664x32xf32, #tpu.memory_space<vmem>>, vector<16xf32>,
          %add3A_560 = arith.addf %add3A_548, %get3A_559 : vector<16xf32>
          %add3A_561 = arith.constant 1248 : i32
          %add3A_562 = arith.addi %add3A_561, %scan3A_83 : i32
          %get3A_563 = arith.index_cast %add3A_562 : i32 to index
          %get3A_564 = arith.constant 16 : index
          %get3A_565 = tpu.vector_load %arg14[%get3A_563, %get3A_564] {strides = array<i32>} : memref<1664x32xf32, #tpu.memory_space<vmem>>, vector<16xf32>,
          %add3A_566 = arith.addf %add3A_554, %get3A_565 : vector<16xf32>
          %add3A_567 = arith.constant 1280 : i32
          %add3A_568 = arith.addi %add3A_567, %scan3A_83 : i32
          %get3A_569 = arith.index_cast %add3A_568 : i32 to index
          %get3A_570 = arith.constant 0 : index
          %get3A_571 = tpu.vector_load %arg14[%get3A_569, %get3A_570] {strides = array<i32>} : memref<1664x32xf32, #tpu.memory_space<vmem>>, vector<16xf32>,
          %add3A_572 = arith.addf %add3A_560, %get3A_571 : vector<16xf32>
          %add3A_573 = arith.constant 1280 : i32
          %add3A_574 = arith.addi %add3A_573, %scan3A_83 : i32
          %get3A_575 = arith.index_cast %add3A_574 : i32 to index
          %get3A_576 = arith.constant 16 : index
          %get3A_577 = tpu.vector_load %arg14[%get3A_575, %get3A_576] {strides = array<i32>} : memref<1664x32xf32, #tpu.memory_space<vmem>>, vector<16xf32>,
          %add3A_578 = arith.addf %add3A_566, %get3A_577 : vector<16xf32>
          %add3A_579 = arith.constant 1312 : i32
          %add3A_580 = arith.addi %add3A_579, %scan3A_83 : i32
          %get3A_581 = arith.index_cast %add3A_580 : i32 to index
          %get3A_582 = arith.constant 0 : index
          %get3A_583 = tpu.vector_load %arg14[%get3A_581, %get3A_582] {strides = array<i32>} : memref<1664x32xf32, #tpu.memory_space<vmem>>, vector<16xf32>,
          %add3A_584 = arith.addf %add3A_572, %get3A_583 : vector<16xf32>
          %add3A_585 = arith.constant 1312 : i32
          %add3A_586 = arith.addi %add3A_585, %scan3A_83 : i32
          %get3A_587 = arith.index_cast %add3A_586 : i32 to index
          %get3A_588 = arith.constant 16 : index
          %get3A_589 = tpu.vector_load %arg14[%get3A_587, %get3A_588] {strides = array<i32>} : memref<1664x32xf32, #tpu.memory_space<vmem>>, vector<16xf32>,
          %add3A_590 = arith.addf %add3A_578, %get3A_589 : vector<16xf32>
          %add3A_591 = arith.constant 1344 : i32
          %add3A_592 = arith.addi %add3A_591, %scan3A_83 : i32
          %get3A_593 = arith.index_cast %add3A_592 : i32 to index
          %get3A_594 = arith.constant 0 : index
          %get3A_595 = tpu.vector_load %arg14[%get3A_593, %get3A_594] {strides = array<i32>} : memref<1664x32xf32, #tpu.memory_space<vmem>>, vector<16xf32>,
          %add3A_596 = arith.addf %add3A_584, %get3A_595 : vector<16xf32>
          %add3A_597 = arith.constant 1344 : i32
          %add3A_598 = arith.addi %add3A_597, %scan3A_83 : i32
          %get3A_599 = arith.index_cast %add3A_598 : i32 to index
          %get3A_600 = arith.constant 16 : index
          %get3A_601 = tpu.vector_load %arg14[%get3A_599, %get3A_600] {strides = array<i32>} : memref<1664x32xf32, #tpu.memory_space<vmem>>, vector<16xf32>,
          %add3A_602 = arith.addf %add3A_590, %get3A_601 : vector<16xf32>
          %add3A_603 = arith.constant 1376 : i32
          %add3A_604 = arith.addi %add3A_603, %scan3A_83 : i32
          %get3A_605 = arith.index_cast %add3A_604 : i32 to index
          %get3A_606 = arith.constant 0 : index
          %get3A_607 = tpu.vector_load %arg14[%get3A_605, %get3A_606] {strides = array<i32>} : memref<1664x32xf32, #tpu.memory_space<vmem>>, vector<16xf32>,
          %add3A_608 = arith.addf %add3A_596, %get3A_607 : vector<16xf32>
          %add3A_609 = arith.constant 1376 : i32
          %add3A_610 = arith.addi %add3A_609, %scan3A_83 : i32
          %get3A_611 = arith.index_cast %add3A_610 : i32 to index
          %get3A_612 = arith.constant 16 : index
          %get3A_613 = tpu.vector_load %arg14[%get3A_611, %get3A_612] {strides = array<i32>} : memref<1664x32xf32, #tpu.memory_space<vmem>>, vector<16xf32>,
          %add3A_614 = arith.addf %add3A_602, %get3A_613 : vector<16xf32>
          %add3A_615 = arith.constant 1408 : i32
          %add3A_616 = arith.addi %add3A_615, %scan3A_83 : i32
          %get3A_617 = arith.index_cast %add3A_616 : i32 to index
          %get3A_618 = arith.constant 0 : index
          %get3A_619 = tpu.vector_load %arg14[%get3A_617, %get3A_618] {strides = array<i32>} : memref<1664x32xf32, #tpu.memory_space<vmem>>, vector<16xf32>,
          %add3A_620 = arith.addf %add3A_608, %get3A_619 : vector<16xf32>
          %add3A_621 = arith.constant 1408 : i32
          %add3A_622 = arith.addi %add3A_621, %scan3A_83 : i32
          %get3A_623 = arith.index_cast %add3A_622 : i32 to index
          %get3A_624 = arith.constant 16 : index
          %get3A_625 = tpu.vector_load %arg14[%get3A_623, %get3A_624] {strides = array<i32>} : memref<1664x32xf32, #tpu.memory_space<vmem>>, vector<16xf32>,
          %add3A_626 = arith.addf %add3A_614, %get3A_625 : vector<16xf32>
          %add3A_627 = arith.constant 1440 : i32
          %add3A_628 = arith.addi %add3A_627, %scan3A_83 : i32
          %get3A_629 = arith.index_cast %add3A_628 : i32 to index
          %get3A_630 = arith.constant 0 : index
          %get3A_631 = tpu.vector_load %arg14[%get3A_629, %get3A_630] {strides = array<i32>} : memref<1664x32xf32, #tpu.memory_space<vmem>>, vector<16xf32>,
          %add3A_632 = arith.addf %add3A_620, %get3A_631 : vector<16xf32>
          %add3A_633 = arith.constant 1440 : i32
          %add3A_634 = arith.addi %add3A_633, %scan3A_83 : i32
          %get3A_635 = arith.index_cast %add3A_634 : i32 to index
          %get3A_636 = arith.constant 16 : index
          %get3A_637 = tpu.vector_load %arg14[%get3A_635, %get3A_636] {strides = array<i32>} : memref<1664x32xf32, #tpu.memory_space<vmem>>, vector<16xf32>,
          %add3A_638 = arith.addf %add3A_626, %get3A_637 : vector<16xf32>
          %add3A_639 = arith.constant 1472 : i32
          %add3A_640 = arith.addi %add3A_639, %scan3A_83 : i32
          %get3A_641 = arith.index_cast %add3A_640 : i32 to index
          %get3A_642 = arith.constant 0 : index
          %get3A_643 = tpu.vector_load %arg14[%get3A_641, %get3A_642] {strides = array<i32>} : memref<1664x32xf32, #tpu.memory_space<vmem>>, vector<16xf32>,
          %add3A_644 = arith.addf %add3A_632, %get3A_643 : vector<16xf32>
          %add3A_645 = arith.constant 1472 : i32
          %add3A_646 = arith.addi %add3A_645, %scan3A_83 : i32
          %get3A_647 = arith.index_cast %add3A_646 : i32 to index
          %get3A_648 = arith.constant 16 : index
          %get3A_649 = tpu.vector_load %arg14[%get3A_647, %get3A_648] {strides = array<i32>} : memref<1664x32xf32, #tpu.memory_space<vmem>>, vector<16xf32>,
          %add3A_650 = arith.addf %add3A_638, %get3A_649 : vector<16xf32>
          %add3A_651 = arith.constant 1504 : i32
          %add3A_652 = arith.addi %add3A_651, %scan3A_83 : i32
          %get3A_653 = arith.index_cast %add3A_652 : i32 to index
          %get3A_654 = arith.constant 0 : index
          %get3A_655 = tpu.vector_load %arg14[%get3A_653, %get3A_654] {strides = array<i32>} : memref<1664x32xf32, #tpu.memory_space<vmem>>, vector<16xf32>,
          %add3A_656 = arith.addf %add3A_644, %get3A_655 : vector<16xf32>
          %add3A_657 = arith.constant 1504 : i32
          %add3A_658 = arith.addi %add3A_657, %scan3A_83 : i32
          %get3A_659 = arith.index_cast %add3A_658 : i32 to index
          %get3A_660 = arith.constant 16 : index
          %get3A_661 = tpu.vector_load %arg14[%get3A_659, %get3A_660] {strides = array<i32>} : memref<1664x32xf32, #tpu.memory_space<vmem>>, vector<16xf32>,
          %add3A_662 = arith.addf %add3A_650, %get3A_661 : vector<16xf32>
          %add3A_663 = arith.constant 1536 : i32
          %add3A_664 = arith.addi %add3A_663, %scan3A_83 : i32
          %get3A_665 = arith.index_cast %add3A_664 : i32 to index
          %get3A_666 = arith.constant 0 : index
          %get3A_667 = tpu.vector_load %arg14[%get3A_665, %get3A_666] {strides = array<i32>} : memref<1664x32xf32, #tpu.memory_space<vmem>>, vector<16xf32>,
          %add3A_668 = arith.addf %add3A_656, %get3A_667 : vector<16xf32>
          %add3A_669 = arith.constant 1536 : i32
          %add3A_670 = arith.addi %add3A_669, %scan3A_83 : i32
          %get3A_671 = arith.index_cast %add3A_670 : i32 to index
          %get3A_672 = arith.constant 16 : index
          %get3A_673 = tpu.vector_load %arg14[%get3A_671, %get3A_672] {strides = array<i32>} : memref<1664x32xf32, #tpu.memory_space<vmem>>, vector<16xf32>,
          %add3A_674 = arith.addf %add3A_662, %get3A_673 : vector<16xf32>
          %add3A_675 = arith.constant 1568 : i32
          %add3A_676 = arith.addi %add3A_675, %scan3A_83 : i32
          %get3A_677 = arith.index_cast %add3A_676 : i32 to index
          %get3A_678 = arith.constant 0 : index
          %get3A_679 = tpu.vector_load %arg14[%get3A_677, %get3A_678] {strides = array<i32>} : memref<1664x32xf32, #tpu.memory_space<vmem>>, vector<16xf32>,
          %add3A_680 = arith.addf %add3A_668, %get3A_679 : vector<16xf32>
          %add3A_681 = arith.constant 1568 : i32
          %add3A_682 = arith.addi %add3A_681, %scan3A_83 : i32
          %get3A_683 = arith.index_cast %add3A_682 : i32 to index
          %get3A_684 = arith.constant 16 : index
          %get3A_685 = tpu.vector_load %arg14[%get3A_683, %get3A_684] {strides = array<i32>} : memref<1664x32xf32, #tpu.memory_space<vmem>>, vector<16xf32>,
          %add3A_686 = arith.addf %add3A_674, %get3A_685 : vector<16xf32>
          %mul3A_687 = vector.broadcast %scan3A_13 : f32 to vector<16xf32>
          %mul3A_688 = arith.mulf %add3A_680, %mul3A_687 : vector<16xf32>
          %mul3A_689 = vector.broadcast %scan3A_13 : f32 to vector<16xf32>
          %mul3A_690 = arith.mulf %add3A_686, %mul3A_689 : vector<16xf32>
          %get3A_691 = arith.index_cast %scan3A_83 : i32 to index
          %get3A_692 = arith.constant 0 : index
          %get3A_693 = tpu.vector_load %arg17[%get3A_691, %get3A_692] {strides = array<i32>} : memref<32x32xf32, #tpu.memory_space<vmem>>, vector<16xf32>,
          %get3A_694 = arith.index_cast %scan3A_83 : i32 to index
          %get3A_695 = arith.constant 16 : index
          %get3A_696 = tpu.vector_load %arg17[%get3A_694, %get3A_695] {strides = array<i32>} : memref<32x32xf32, #tpu.memory_space<vmem>>, vector<16xf32>,
          %swap3A = arith.index_cast %scan3A_83 : i32 to index
          %swap3A_697 = arith.constant 0 : index
          %swap3A_698 = tpu.vector_load %arg15[%swap3A, %swap3A_697] {strides = array<i32>} : memref<32x96xf32, #tpu.memory_space<vmem>>, vector<16xf32>,
          tpu.vector_store %arg15[%swap3A, %swap3A_697], %mul3A_688 {strides = array<i32>} : memref<32x96xf32, #tpu.memory_space<vmem>>, vector<16xf32>,
          %swap3A_699 = arith.index_cast %scan3A_83 : i32 to index
          %swap3A_700 = arith.constant 16 : index
          %swap3A_701 = tpu.vector_load %arg15[%swap3A_699, %swap3A_700] {strides = array<i32>} : memref<32x96xf32, #tpu.memory_space<vmem>>, vector<16xf32>,
          tpu.vector_store %arg15[%swap3A_699, %swap3A_700], %mul3A_690 {strides = array<i32>} : memref<32x96xf32, #tpu.memory_space<vmem>>, vector<16xf32>,
          %mul3A_702 = arith.mulf %mul3A_688, %get3A_693 : vector<16xf32>
          %swap3A_703 = arith.index_cast %scan3A_83 : i32 to index
          %swap3A_704 = arith.constant 32 : index
          %swap3A_705 = tpu.vector_load %arg15[%swap3A_703, %swap3A_704] {strides = array<i32>} : memref<32x96xf32, #tpu.memory_space<vmem>>, vector<16xf32>,
          tpu.vector_store %arg15[%swap3A_703, %swap3A_704], %mul3A_702 {strides = array<i32>} : memref<32x96xf32, #tpu.memory_space<vmem>>, vector<16xf32>,
          %mul3A_706 = arith.mulf %mul3A_690, %get3A_696 : vector<16xf32>
          %swap3A_707 = arith.index_cast %scan3A_83 : i32 to index
          %swap3A_708 = arith.constant 48 : index
          %swap3A_709 = tpu.vector_load %arg15[%swap3A_707, %swap3A_708] {strides = array<i32>} : memref<32x96xf32, #tpu.memory_space<vmem>>, vector<16xf32>,
          tpu.vector_store %arg15[%swap3A_707, %swap3A_708], %mul3A_706 {strides = array<i32>} : memref<32x96xf32, #tpu.memory_space<vmem>>, vector<16xf32>,
          %swap3A_710 = arith.index_cast %scan3A_83 : i32 to index
          %swap3A_711 = arith.constant 64 : index
          %swap3A_712 = tpu.vector_load %arg15[%swap3A_710, %swap3A_711] {strides = array<i32>} : memref<32x96xf32, #tpu.memory_space<vmem>>, vector<16xf32>,
          tpu.vector_store %arg15[%swap3A_710, %swap3A_711], %get3A_693 {strides = array<i32>} : memref<32x96xf32, #tpu.memory_space<vmem>>, vector<16xf32>,
          %swap3A_713 = arith.index_cast %scan3A_83 : i32 to index
          %swap3A_714 = arith.constant 80 : index
          %swap3A_715 = tpu.vector_load %arg15[%swap3A_713, %swap3A_714] {strides = array<i32>} : memref<32x96xf32, #tpu.memory_space<vmem>>, vector<16xf32>,
          tpu.vector_store %arg15[%swap3A_713, %swap3A_714], %get3A_696 {strides = array<i32>} : memref<32x96xf32, #tpu.memory_space<vmem>>, vector<16xf32>,
          %scan3A_716 = arith.constant 0 : i32
          scf.yield %scan3A_716 : i32
        }
        %scan3A_82 = arith.constant 32 : i32
        "tpu.region"() ({
          %run_scoped3A = tpu.sem_alloc : memref<!tpu.dma_semaphore, #tpu.memory_space<semaphore_mem>>
          %dma_start3A_83 = arith.constant 0 : i32
          %dma_start3A_84 = tpu.memref_slice %arg8[%add3A_66, %dma_start3A_83] : memref<16384x96xf32, #tpu.memory_space<hbm>> -> memref<32x96xf32, #tpu.memory_space<hbm>>
          %dma_start3A_85 = arith.constant 0 : i32
          %dma_start3A_86 = tpu.memref_slice %arg8[%add3A_66, %dma_start3A_85] : memref<16384x96xf32, #tpu.memory_space<hbm>> -> memref<32x96xf32, #tpu.memory_space<hbm>>
          tpu.enqueue_dma source(%arg15 : memref<32x96xf32, #tpu.memory_space<vmem>>) target(%dma_start3A_86 : memref<32x96xf32, #tpu.memory_space<hbm>>) target_semaphore(%run_scoped3A : memref<!tpu.dma_semaphore, #tpu.memory_space<semaphore_mem>>)
          %dma_wait3A_87 = arith.constant 0 : i32
          %dma_wait3A_88 = tpu.memref_slice %arg8[%add3A_66, %dma_wait3A_87] : memref<16384x96xf32, #tpu.memory_space<hbm>> -> memref<32x96xf32, #tpu.memory_space<hbm>>
          %dma_wait3A_89 = arith.constant 0 : i32
          %dma_wait3A_90 = tpu.memref_slice %arg8[%add3A_66, %dma_wait3A_89] : memref<16384x96xf32, #tpu.memory_space<hbm>> -> memref<32x96xf32, #tpu.memory_space<hbm>>
          tpu.wait_dma2 semaphore(%run_scoped3A : memref<!tpu.dma_semaphore, #tpu.memory_space<semaphore_mem>>) src(%arg15 : memref<32x96xf32, #tpu.memory_space<vmem>>) dst(%dma_wait3A_90 : memref<32x96xf32, #tpu.memory_space<hbm>>)
          tpu.yield
        }) : () -> ()
      } else {
      }
      %scan3A_61 = arith.constant 0 : i32
      scf.yield %scan3A_61 : i32
    }
    %scan3A_20 = arith.constant 8 : i32
    return
  }
}

</mosaic_0001>

<sc_bundles>
// kernel: _run.3.cloned.1.call-start
scs
__scs_entry_jumppad:
0x0: {  	(pc) =	sbr.rel $0x88, $3  }
0x1: {  	(tag) =	ssettag $0x0;
	lr =	simm.s32 $0x1  }
0x2: {  	[smem:$0x3F9B] =	sst lr;
	_ =	strace $0xD0000000  }
0x3: {  	_ = 	snop  }
0x4: {  	_ = 	snop  }
0x5: {  	_ = 	snop  }
0x6: {  	_ = 	snop  }
0x7: {  	_ = 	snop  }
__scs_overlays_trampoline_lowered:
0x8: {  	[smem:$0x3FAA] =	sst s0  }
0x9: {  	[smem:$0x3FAB] =	sst s1  }
0xa: {  	[smem:$0x3FAC] =	sst s2  }
0xb: {  	[smem:$0x3FAD] =	sst s3  }
0xc: {  	[smem:$0x3FAE] =	sst s4  }
0xd: {  	[smem:$0x3FAF] =	sst s5  }
0xe: {  	[smem:$0x3FB0] =	sst s6  }
0xf: {  	[smem:$0x3FB1] =	sst s7  }
0x10: {  	[smem:$0x3FB2] =	sst s8  }
0x11: {  	[smem:$0x3FB3] =	sst s9;
	s0 =	simm.s32 @!p0 $0x0  }
0x12: {  	s1 =	sld [smem:$0x3F99];
	s0 =	simm.s32 @p0 $0x1  }
0x13: {  	[smem:$0x3FB4] =	sst s0;
	s0 =	simm.s32 @!p1 $0x0  }
0x14: {  	s2 =	sld [smem:$0x3F98];
	s0 =	simm.s32 @p1 $0x1  }
0x15: {  	[smem:$0x3FB5] =	sst s0;
	s0 =	simm.s32 @!p2 $0x0  }
0x16: {  	s3 =	sld [smem:$0x3FDB];
	s0 =	simm.s32 @p2 $0x1  }
0x17: {  	s4 =	simm.s32 $0x1BF5;
	[smem:$0x3FB7] =	sst s0  }
0x18: {  	s0 =	sld [smem:$0x3F9A];
	_ =	swait.ge [sflag:s4], $0x0  }
0x19: {  	s7 =	sld [smem:$0x3F9B]  }
0x1a: {  	s8 =	sadd.s32 $0xFFFFE003, lr  }
0x1b: {  	s9 =	sadd.s32 $0xFFFFFEF7, lr;
	s5 =	simm.s32 $0xFFFFFFFF;
	p2 =	slt.u32 s8, $0xFFFFF086  }
0x1c: {  	p1 =	slt.u32 s9, $0xF7A;
	s5 =	simm.s32 @!p2 $0x0  }
0x1d: {  	s5 =	simm.s32 @p1 $0x1;
	p0 =	seq.s32 s7, s2  }
0x1e: {  	s7 =	smul.u32 @!p0 $0xF7A, s2;
	p2 =	seq.s32 @!p0 s5, $0x0  }
0x1f: {  	s9 =	smul.u32 $0xF7A, s1;
	s8 =	simm.s32 @!p0 $0x1BF5;
	p2 =	por !p2, p0  }
0x20: {  	[sflag:s8] =	ssyncset.s32 @!p0 $0xFFFFF086;
	s6 =	sadd.s32 @!p0 s3, s7;
	s7 =	simm.s32 @!p0 $0x108  }
0x21: {  	s3 =	sadd.s32 s3, s9;
	s6 =	sadd.s32 @!p0 $0x88, s6;
	s7 =	simm.s32 @p2 $0x1082  }
0x22: {  	[simem:s7], [sflag:s8] =	dma.local @!p0 [hbm:s6], $0xF7A  }
0x23: {  	s9 =	sor.u32 $0xD0000000, s2;
	s6 =	simm.s32 $0x108;
	_ =	swait.ge @!p0 [sflag:s8], $0x0  }
0x24: {  	s3 =	sadd.s32 $0x88, s3;
	s6 =	simm.s32 @!p1 $0x1082;
	[sflag:s4] =	ssyncset.s32 $0xFFFFF086  }
0x25: {  	[simem:s6], [sflag:s4] =	dma.local [hbm:s3], $0xF7A  }
0x26: {  	[smem:$0x3F9B] =	sst s1;
	(tag) =	ssettag s2;
	_ =	strace s9  }
0x27: {  	s1 =	sld [smem:$0x3FAB]  }
0x28: {  	s2 =	sld [smem:$0x3FAC]  }
0x29: {  	s4 =	sld [smem:$0x3FAE]  }
0x2a: {  	p0 =	seq.s32 s5, $0x0;
	s5 =	sld [smem:$0x3FAF]  }
0x2b: {  	s6 =	sld [smem:$0x3FB0]  }
0x2c: {  	s7 =	sld [smem:$0x3FB1]  }
0x2d: {  	s3 =	simm.s32 $0x108;
	s8 =	sld [smem:$0x3FB2]  }
0x2e: {  	s3 =	simm.s32 @!p0 $0x1082;
	s9 =	sld [smem:$0x3FB3]  }
0x2f: {  	lr =	sadd.s32 s0, s3;
	s0 =	sld [smem:$0x3FAA]  }
0x30: {  	s3 =	sld [smem:$0x3FAD]  }
0x31: {  	[smem:$0x3FB6] =	sst s10  }
0x32: {  	s10 =	sld [smem:$0x3FB4];
	_ =	sdelay $0x3  }
0x33: {  	p0 =	seq.s32 s10, $0x1;
	s10 =	sld [smem:$0x3FB6];
	_ =	sdelay $0x3  }
0x34: {  	[smem:$0x3FB6] =	sst s10  }
0x35: {  	s10 =	sld [smem:$0x3FB5];
	_ =	sdelay $0x3  }
0x36: {  	p1 =	seq.s32 s10, $0x1;
	s10 =	sld [smem:$0x3FB6];
	_ =	sdelay $0x3  }
0x37: {  	[smem:$0x3FB6] =	sst s10  }
0x38: {  	s10 =	sld [smem:$0x3FB7]  }
0x39: {  	_ = 	snop;
	(pc) =	sbr.ind lr, $3  }
0x3a: {  	_ = 	snop  }
0x3b: {  	_ = 	snop  }
0x3c: {  	p2 =	seq.s32 s10, $0x1;
	s10 =	sld [smem:$0x3FB6]  }
0x3d: {  	_ =	shalt  }
0x3e: {  	_ =	shalt  }
0x3f: {  	_ =	shalt  }
0x40: {  	_ =	shalt  }
0x41: {  	_ =	shalt  }
0x42: {  	_ =	shalt  }
0x43: {  	_ =	shalt  }
0x44: {  	_ =	shalt  }
0x45: {  	_ =	shalt  }
0x46: {  	_ =	shalt  }
0x47: {  	_ =	shalt  }
0x48: {  	_ =	shalt  }
0x49: {  	_ =	shalt  }
0x4a: {  	_ =	shalt  }
0x4b: {  	_ =	shalt  }
0x4c: {  	_ =	shalt  }
0x4d: {  	_ =	shalt  }
0x4e: {  	_ =	shalt  }
0x4f: {  	_ =	shalt  }
0x50: {  	_ =	shalt  }
0x51: {  	_ =	shalt  }
0x52: {  	_ =	shalt  }
0x53: {  	_ =	shalt  }
0x54: {  	_ =	shalt  }
0x55: {  	_ =	shalt  }
0x56: {  	_ =	shalt  }
0x57: {  	_ =	shalt  }
0x58: {  	_ =	shalt  }
0x59: {  	_ =	shalt  }
0x5a: {  	_ =	shalt  }
0x5b: {  	_ =	shalt  }
0x5c: {  	_ =	shalt  }
0x5d: {  	_ =	shalt  }
0x5e: {  	_ =	shalt  }
0x5f: {  	_ =	shalt  }
0x60: {  	_ =	shalt  }
0x61: {  	_ =	shalt  }
0x62: {  	_ =	shalt  }
0x63: {  	_ =	shalt  }
0x64: {  	_ =	shalt  }
0x65: {  	_ =	shalt  }
0x66: {  	_ =	shalt  }
0x67: {  	_ =	shalt  }
0x68: {  	_ =	shalt  }
0x69: {  	_ =	shalt  }
0x6a: {  	_ =	shalt  }
0x6b: {  	_ =	shalt  }
0x6c: {  	_ =	shalt  }
0x6d: {  	_ =	shalt  }
0x6e: {  	_ =	shalt  }
0x6f: {  	_ =	shalt  }
0x70: {  	_ =	shalt  }
0x71: {  	_ =	shalt  }
0x72: {  	_ =	shalt  }
0x73: {  	_ =	shalt  }
0x74: {  	_ =	shalt  }
0x75: {  	_ =	shalt  }
0x76: {  	_ =	shalt  }
0x77: {  	_ =	shalt  }
0x78: {  	_ =	shalt  }
0x79: {  	_ =	shalt  }
0x7a: {  	_ =	shalt  }
0x7b: {  	_ =	shalt  }
0x7c: {  	_ =	shalt  }
0x7d: {  	_ =	shalt  }
0x7e: {  	_ =	shalt  }
0x7f: {  	_ =	shalt  }
0x80: {  	_ =	shalt  }
0x81: {  	_ =	shalt  }
0x82: {  	_ =	shalt  }
0x83: {  	_ =	shalt  }
0x84: {  	_ =	shalt  }
0x85: {  	_ =	shalt  }
0x86: {  	_ =	shalt  }
0x87: {  	_ =	shalt  }
.Lfunc_end0:
.L_simem_size_0:
called_computation_lowered:
.L_overlay_start_0:
0x88: {  	s2 =	sld [smem:$0x3FD9]  }
0x89: {  	s3 =	sld [smem:$0x3FFE];
	_ =	sdelay $0x1  }
0x8a: {  	s1 =	srdreg.scid  }
0x8b: {  	s0 =	sand.u32 $0x1, s1  }
0x8c: {  	s17 =	sshll.u32 s0, $0xA;
	s2 =	sadd.s32 s3, s2  }
0x8d: {  	s2 =	sadd.s32 s2, s17  }
0x8e: {  	[smem:$0x3FC2] =	sst s2  }
0x8f: {  	_ = 	snop  }
0x90: {  	s2 =	sld [smem:$0x3FC9]  }
0x91: {  	s18 =	sld [smem:$0x3FC5]  }
0x92: {  	s4 =	sld [smem:$0x3FC4]  }
0x93: {  	s5 =	sld [smem:$0x3FD0];
	(tm) =	ssettm $0x1  }
0x94: {  	s6 =	sld [smem:$0x3FFB];
	_ =	sdelay $0x3  }
0x95: {  	_ =	strace s6  }
0x96: {  	s6 =	sld [smem:$0x3FFC];
	_ =	sdelay $0x3  }
0x97: {  	_ =	strace s6  }
0x98: {  	s6 =	sld [smem:$0x3FFD];
	_ =	sdelay $0x3  }
0x99: {  	_ =	strace s6  }
0x9a: {  	_ =	strace $0x8FFFFFFF  }
0x9b: {  	s19 =	sld [smem:$0x3FDB];
	_ =	sdelay $0x1  }
0x9c: {  	s7 =	simm.s32 $_scs_section_size  }
0x9d: {  	s8 =	simm.s32 $_size__tile_overlayer_lowered;
	s9 =	simm.s32 $_tile_overlayer_lowered  }
0x9e: {  	s22 =	simm.s32 $0x1BFF;
	s21 =	sshll.u32 s9, $0x1;
	s6 =	sadd.s32 s7, s19  }
0x9f: {  	s10 =	simm.s32 $0x0;
	s20 =	sshll.u32 s8, $0x1;
	s8 =	sadd.s32 s21, s6  }
0xa0: {  	[timem:s10], [sflag:s22] =	dma.local [hbm:s8], s20  }
0xa1: {  	_ =	swait.ge [sflag:s22], s20  }
0xa2: {  	s7 =	ssub.s32 $0x0, s20;
	[sflag:s22] =	ssyncset.done $0x0  }
0xa3: {  	[sflag:s22] =	ssyncadd.s32 s7;
	_ =	sdelay $0x1  }
0xa4: {  	s23 =	simm.s32 $0x1B8B  }
0xa5: {  	_ =	swait.ge [sflag:s23], $0x1  }
0xa6: {  	[sflag:s23] =	ssyncset.done $0x0  }
0xa7: {  	s25 =	simm.s32 $0x1B8E;
	s24 =	sld [smem:$0x3FFE];
	[sflag:s23] =	ssyncadd.s32 $0xFFFFFFFF  }
0xa8: {  	s26 =	simm.s32 $execute0_lowered;
	[smem:$0x3FD2] =	sst s25  }
0xa9: {  	s8 =	sshll.u32 s26, $0x1;
	_ =	strace $0x80000046;
	[dreg:$0x1] =	wrdreg $0xFFFFFFFF  }
0xaa: {  	s28 =	simm.s32 $_size_execute0_lowered;
	s6 =	sadd.s32 s6, s8;
	[dreg:$0x0] =	wrdreg $0x0  }
0xab: {  	s8 =	sshll.u32 s28, $0x1;
	[dreg:$0x2] =	wrdreg s6  }
0xac: {  	[dreg:$0x3] =	wrdreg s8  }
0xad: {  	[dreg:$0x4] =	wrdreg $0xC0  }
0xae: {  	_ =	task [dreg:s10], $0x5FFFF  }
0xaf: {  	[dreg:$0x1] =	wrdreg $0xFFFFFFFF  }
0xb0: {  	[dreg:$0x0] =	wrdreg $0x60  }
0xb1: {  	[dreg:$0x2] =	wrdreg s2  }
0xb2: {  	[dreg:$0x3] =	wrdreg s24  }
0xb3: {  	[dreg:$0x4] =	wrdreg s18  }
0xb4: {  	[dreg:$0x5] =	wrdreg s4  }
0xb5: {  	[dreg:$0x6] =	wrdreg s5  }
0xb6: {  	[dreg:$0x7] =	wrdreg $0x9  }
0xb7: {  	_ =	task.clear_ibuf [dreg:s10], $0x8FFFF;
	_ =	strace $0x90000046  }
0xb8: {  	s29 =	simm.s32 $0x9;
	_ =	strace $0x80000048  }
0xb9: {  	_ =	swait.ge [sflag:s29], $0x1  }
0xba: {  	[sflag:s29] =	ssyncadd.s32 $0xFFFFFFFF  }
0xbb: {  	_ =	strace $0x90000048  }
0xbc: {  	_ =	sfence  }
0xbd: {  	s30 =	sld [smem:$0x0];
	_ =	sdelay $0x2  }
0xbe: {  	s31 =	sshll.u32 s1, $0xD;
	s1 =	sshrl.u32 s1, $0x2  }
0xbf: {  	s3 =	sand.u32 $0x4000, s31;
	s1 =	sadd.s32 s1, s30  }
0xc0: {  	s0 =	sor.u32 s3, s0;
	s1 =	sshll.u32 s1, $0x11  }
0xc1: {  	s0 =	sor.u32 s1, s0  }
0xc2: {  	s0 =	sadd.s32 $0x8F2B, s0  }
0xc3: {  	[sflag:s0] =	ssyncadd.remote.s32 $0x1  }
0xc4: {  	_ =	sfence.sel $0xFFFF  }
0xc5: {  	[dreg:$0x0] =	wrdreg $0xFFFFFFFF;
	(pc) =	sbr.abs _section_cstart, $3  }
0xc6: {  	[dreg:$0x1] =	wrdreg $0xFFFFFFFF  }
0xc7: {  	_ =	task.clear_ibuf [dreg:s10], $0x2FFFF;
	_ =	strace $0x9FFFFFFF  }
0xc8: {  	(tm) =	ssettm $0x7FFFFFFF  }
0xc9: {  	_ =	shalt  }
tec
execute0_lowered:
.L_overlay_start_1:
0x0: {  	(tag) =	ssettag $0x1  }
0x1: {  	s1 =	rddreg [dreg:$0x0]  }
0x2: {  	s0 =	rddreg [dreg:$0x1]  }
0x3: {  	s4 =	rddreg [dreg:$0x4];
	s6 =	simm.s32 $0x0  }
0x4: {  	s2 =	srdreg.scid;
	s3 =	stileid.u32;
	s16 =	simm.s32 $0x4  }
0x5: {  	s18 =	simm.s32 $0x20;
	s19 =	simm.s32 $0x4000;
	s20 =	simm.s32 $0x680  }
0x6: {  	s23 =	simm.s32 $0xDCC0;
	s28 =	simm.s32 $0x1;
	s29 =	simm.s32 $0x1C580  }
0x7: {  	s30 =	simm.s32 $0x1C5A0;
	s31 =	simm.s32 $0x3;
	[smem:$0x7FF] =	sst s6  }
0x8: {  	s2 =	sand.u32 $0x1, s2;
	s7 =	sadd.s32 $0x800, s0;
	s8 =	sadd.s32 $0x187400, s0  }
0x9: {  	s3 =	sshll.u32 s3, $0xA;
	s10 =	sadd.s32 $0xF42E00, s0;
	s5 =	sshll.u32 s2, $0x9  }
0xa: {  	_ =	strace $0x80000047;
	s2 =	ssub.s32 $0x2, s2;
	s9 =	sor.u32 s5, s3  }
0xb: {  	s24 =	sshrl.u32 s2, $0x1;
	s5 =	simm.s32 $0x2;
	s3 =	sshrl.u32 s9, $0x3  }
0xc: {  	s0 =	ssub.s32 s2, s24;
	s12 =	sor.u32 $0x20, s9;
	s26 =	sor.u32 $0x40, s9  }
0xd: {  	s24 =	simm.s32 $0x5;
	s25 =	sadd.s32 s7, s3;
	[dreg:$0x7] =	wrdreg s26  }
0xe: {  	s0 =	smax.u32 s0, $0x1;
	s26 =	simm.s32 $0xE980;
	[dreg:$0x6] =	wrdreg s25  }
0xf: {  	s3 =	simm.s32 $0x0;
	[dreg:$0x8] =	wrdreg s0;
	s0 =	simm.s32 $0x1B980  }
.LBB2_1:
0x10: {  	[dreg:$0x9] =	wrdreg s3  }
0x11: {  	s2 =	rddreg [dreg:$0x2];
	s17 =	simm.s32 $0x1C9A0  }
0x12: {  	[tilespmem:s17], [sflag:$0x4] =	stream.linear.gather [hbm4b:s2+s6], $0x680, $0x38;
	[tilespmem:$0x1D6A0] =	vst v63  }
0x13: {  	_ =	swait.ge [sflag:s16], $0x680  }
0x14: {  	[sflag:s16] =	ssyncset.done $0x0  }
0x15: {  	[sflag:s16] =	ssyncadd.s32 $0xFFFFF980  }
0x16: {  	s22 =	simm.s32 $0x1D020;
	s21 =	rddreg [dreg:$0x3]  }
0x17: {  	[tilespmem:s22], [sflag:$0x4] =	stream.linear.gather [hbm4b:s21+s6], $0x680, $0x38;
	[tilespmem:$0x1D6A0] =	vst v63  }
0x18: {  	_ =	swait.ge [sflag:s16], $0x680  }
0x19: {  	[sflag:s16] =	ssyncset.done $0x0  }
0x1a: {  	s25 =	rddreg [dreg:$0x6];
	[sflag:s16] =	ssyncadd.s32 $0xFFFFF980  }
0x1b: {  	[tilespmem:s6], [sflag:$0x4] =	stream.strided.gather [hbm4b:s25+s18], $0x640, s19, s18, $0x38;
	[tilespmem:$0x1D6A0] =	vst v63  }
0x1c: {  	_ =	swait.ge [sflag:s16], $0x640  }
0x1d: {  	[sflag:s16] =	ssyncset.done $0x0  }
0x1e: {  	s3 =	simm.s32 $0x0;
	[sflag:s16] =	ssyncadd.s32 $0xFFFFF9C0  }
0x1f: {  	v0 =	vld [tilespmem:s3+$0x1C9A0]  }
0x20: {  	v1 =	vld [tilespmem:s3+$0x1D020];
	_ =	sdelay $0x4  }
0x21: {  	v2 =	vand.u32 $0xFFFFFFF8, v1;
	v0 =	vshll.u32 v0, $0x5  }
0x22: {  	v1 =	vand.u32 $0x7, v1;
	v0 =	vadd.s32 v0, v2  }
0x23: {  	s2 =	simm.s32 $0x10;
	v0 =	vor.u32 v1, v0  }
0x24: {  	v2 =	vld [tilespmem:s2+$0x1D020]  }
0x25: {  	v1 =	vld [tilespmem:s2+$0x1C9A0];
	_ =	sdelay $0x2  }
0x26: {  	v0 =	vld.idx.msk [tilespmem:v0+s6+$0x0], $0xffff;
	_ =	sdelay $0x1  }
0x27: {  	v3 =	vand.u32 $0xFFFFFFF8, v2;
	v1 =	vshll.u32 v1, $0x5  }
0x28: {  	v2 =	vand.u32 $0x7, v2;
	v1 =	vadd.s32 v1, v3  }
0x29: {  	v1 =	vor.u32 v2, v1  }
0x2a: {  	s11 =	simm.s32 $0x20;
	v3 =	vtrunc.f32 v0  }
0x2b: {  	s13 =	simm.s32 $0xC0;
	v0 =	vld [tilespmem:s11+$0x1C9A0];
	v2 =	vcvt.f32.s32 v3  }
.LBB2_2:
0x2c: {  	p0 =	sne.s32 s13, $0x19C0;
	v3 =	vld [tilespmem:s11+$0x1D020]  }
0x2d: {  	[tilespmem:s3+$0x640] =	vst v2;
	s3 =	smov.u32 s2;
	s2 =	smov.u32 s11  }
0x2e: {  	v2 =	vld.idx.msk [tilespmem:v1+s6+$0x0], $0xffff;
	_ =	sdelay $0x2  }
.Ltmp0:
0x2f: {  	v0 =	vshll.u32 v0, $0x5;
	v1 =	vand.u32 $0xFFFFFFF8, v3;
	(pc) =	sbr.rel @p0 .LBB2_2-.Ltmp0, $4  }
0x30: {  	v3 =	vand.u32 $0x7, v3;
	v0 =	vadd.s32 v0, v1  }
0x31: {  	v1 =	vor.u32 v3, v0  }
0x32: {  	s11 =	sshra.s32 s13, $0x2;
	v2 =	vtrunc.f32 v2  }
0x33: {  	s13 =	sadd.s32 $0x40, s13;
	v2 =	vcvt.f32.s32 v2;
	v0 =	vld [tilespmem:s11+$0x1C9A0]  }
0x34: {  	_ = 	snop  }
0x35: {  	v3 =	vld [tilespmem:s11+$0x1D020];
	_ =	sdelay $0x1  }
0x36: {  	[tilespmem:s3+$0x640] =	vst v2  }
0x37: {  	v1 =	vld.idx.msk [tilespmem:v1+s6+$0x0], $0xffff;
	_ =	sdelay $0x1  }
0x38: {  	v0 =	vshll.u32 v0, $0x5;
	v63 =	vand.u32 $0xFFFFFFF8, v3  }
0x39: {  	v3 =	vand.u32 $0x7, v3;
	v0 =	vadd.s32 v0, v63  }
0x3a: {  	v0 =	vor.u32 v3, v0  }
0x3b: {  	v1 =	vtrunc.f32 v1  }
0x3c: {  	v1 =	vcvt.f32.s32 v1;
	_ =	sdelay $0x1  }
0x3d: {  	[tilespmem:s2+$0x640] =	vst v1  }
0x3e: {  	v0 =	vld.idx.msk [tilespmem:v0+s6+$0x0], $0xffff;
	_ =	sdelay $0x4  }
0x3f: {  	v0 =	vtrunc.f32 v0  }
0x40: {  	v0 =	vcvt.f32.s32 v0;
	_ =	sdelay $0x1  }
0x41: {  	s22 =	simm.s32 $0x640;
	s25 =	simm.s32 $0xCC0;
	s3 =	simm.s32 $0x0;
	[tilespmem:s11+$0x640] =	vst v0  }
0x42: {  	[tilespmem:s25], [sflag:$0x1] =	stream.indirect.gather [hbm4b:s10+s20], $0x20, s22, s20, $0xb8;
	[tilespmem:$0x1D6A0] =	vst v63  }
.LBB2_4:
0x43: {  	s11 =	sshll.u32 s3, $0x6  }
0x44: {  	s15 =	sadd.s32 s12, s11  }
0x45: {  	s17 =	sshrl.u32 s15, $0x3  }
0x46: {  	s2 =	sadd.s32 s7, s17  }
0x47: {  	[tilespmem:s23], [sflag:$0x5] =	stream.strided.gather [hbm4b:s2+s18], $0x640, s19, s18, $0x38;
	[tilespmem:$0x1D6A0] =	vst v63  }
0x48: {  	_ =	swait.ge [sflag:s24], $0x640  }
0x49: {  	[sflag:s24] =	ssyncset.done $0x0  }
0x4a: {  	s13 =	simm.s32 $0x0;
	[sflag:s24] =	ssyncadd.s32 $0xFFFFF9C0  }
0x4b: {  	v0 =	vld [tilespmem:s13+$0x1C9A0]  }
0x4c: {  	v1 =	vld [tilespmem:s13+$0x1D020];
	_ =	sdelay $0x4  }
0x4d: {  	v2 =	vand.u32 $0xFFFFFFF8, v1;
	v0 =	vshll.u32 v0, $0x5  }
0x4e: {  	v1 =	vand.u32 $0x7, v1;
	v0 =	vadd.s32 v0, v2  }
0x4f: {  	s2 =	simm.s32 $0x10;
	v0 =	vor.u32 v1, v0  }
0x50: {  	v2 =	vld [tilespmem:s2+$0x1D020]  }
0x51: {  	v1 =	vld [tilespmem:s2+$0x1C9A0];
	_ =	sdelay $0x2  }
0x52: {  	v0 =	vld.idx.msk [tilespmem:v0+s23+$0x0], $0xffff;
	_ =	sdelay $0x1  }
0x53: {  	v3 =	vand.u32 $0xFFFFFFF8, v2;
	v1 =	vshll.u32 v1, $0x5  }
0x54: {  	v2 =	vand.u32 $0x7, v2;
	v1 =	vadd.s32 v1, v3  }
0x55: {  	v1 =	vor.u32 v2, v1  }
0x56: {  	s14 =	simm.s32 $0x20;
	v3 =	vtrunc.f32 v0  }
0x57: {  	s21 =	simm.s32 $0xC0;
	v0 =	vld [tilespmem:s14+$0x1C9A0];
	v2 =	vcvt.f32.s32 v3  }
.LBB2_5:
0x58: {  	p0 =	sne.s32 s21, $0x19C0;
	v3 =	vld [tilespmem:s14+$0x1D020]  }
0x59: {  	[tilespmem:s13+$0xE300] =	vst v2;
	s13 =	smov.u32 s2;
	s2 =	smov.u32 s14  }
0x5a: {  	v2 =	vld.idx.msk [tilespmem:v1+s23+$0x0], $0xffff;
	_ =	sdelay $0x2  }
.Ltmp1:
0x5b: {  	v0 =	vshll.u32 v0, $0x5;
	v1 =	vand.u32 $0xFFFFFFF8, v3;
	(pc) =	sbr.rel @p0 .LBB2_5-.Ltmp1, $4  }
0x5c: {  	v3 =	vand.u32 $0x7, v3;
	v0 =	vadd.s32 v0, v1  }
0x5d: {  	v1 =	vor.u32 v3, v0  }
0x5e: {  	s14 =	sshra.s32 s21, $0x2;
	v2 =	vtrunc.f32 v2  }
0x5f: {  	s21 =	sadd.s32 $0x40, s21;
	v2 =	vcvt.f32.s32 v2;
	v0 =	vld [tilespmem:s14+$0x1C9A0]  }
0x60: {  	_ = 	snop  }
0x61: {  	v3 =	vld [tilespmem:s14+$0x1D020];
	_ =	sdelay $0x1  }
0x62: {  	[tilespmem:s13+$0xE300] =	vst v2  }
0x63: {  	v1 =	vld.idx.msk [tilespmem:v1+s23+$0x0], $0xffff;
	_ =	sdelay $0x1  }
0x64: {  	v0 =	vshll.u32 v0, $0x5;
	v2 =	vand.u32 $0xFFFFFFF8, v3  }
0x65: {  	v3 =	vand.u32 $0x7, v3;
	v0 =	vadd.s32 v0, v2  }
0x66: {  	v0 =	vor.u32 v3, v0  }
0x67: {  	v1 =	vtrunc.f32 v1  }
0x68: {  	v1 =	vcvt.f32.s32 v1;
	_ =	sdelay $0x1  }
0x69: {  	[tilespmem:s2+$0xE300] =	vst v1  }
0x6a: {  	v0 =	vld.idx.msk [tilespmem:v0+s23+$0x0], $0xffff;
	_ =	sdelay $0x4  }
0x6b: {  	v0 =	vtrunc.f32 v0  }
0x6c: {  	v0 =	vcvt.f32.s32 v0;
	_ =	sdelay $0x1  }
0x6d: {  	s21 =	simm.s32 $0xE300;
	[tilespmem:s14+$0xE300] =	vst v0  }
0x6e: {  	[tilespmem:s26], [sflag:$0x2] =	stream.indirect.gather [hbm4b:s10+s20], $0x20, s21, s20, $0xb8;
	[tilespmem:$0x1D6A0] =	vst v63  }
0x6f: {  	s14 =	sor.u32 s9, s11;
	_ =	swait.ge [sflag:s28], $0xD000  }
0x70: {  	s22 =	sshrl.u32 s14, $0x3;
	[sflag:s28] =	ssyncset.done $0x0  }
0x71: {  	s25 =	simm.s32 $0x0;
	s2 =	sadd.s32 s1, s22;
	[sflag:s28] =	ssyncadd.s32 $0xFFFF3000  }
0x72: {  	[tilespmem:s29], [sflag:$0x5] =	stream.linear.gather [hbm4b:s2+s25], $0x20, $0x38;
	[tilespmem:$0x1D6A0] =	vst v63  }
0x73: {  	_ =	swait.ge [sflag:s24], $0x20  }
0x74: {  	[sflag:s24] =	ssyncset.done $0x0  }
0x75: {  	[sflag:s24] =	ssyncadd.s32 $0xFFFFFFE0  }
0x76: {  	[tilespmem:s30], [sflag:$0x3] =	stream.indirect.gather [hbm4b:s8+s18], $0x20, s29, s18, $0xb8;
	[tilespmem:$0x1D6A0] =	vst v63  }
0x77: {  	_ =	swait.ge [sflag:s31], $0x400  }
0x78: {  	[sflag:s31] =	ssyncset.done $0x0  }
0x79: {  	s2 =	simm.s32 $0x0;
	[sflag:s31] =	ssyncadd.s32 $0xFFFFFC00  }
0x7a: {  	v1 =	vld [tilespmem:s2+$0x14C0]  }
0x7b: {  	v2 =	vld [tilespmem:s2+$0xCC0]  }
0x7c: {  	v3 =	vld [tilespmem:s2+$0x10C0]  }
0x7d: {  	v4 =	vld [tilespmem:s2+$0xCD0]  }
0x7e: {  	v5 =	vld [tilespmem:s2+$0x14D0]  }
0x7f: {  	v6 =	vld [tilespmem:s2+$0x10D0]  }
0x80: {  	v0 =	vld [tilespmem:s2+$0x78C0];
	v2 =	vadd.f32 $0.0e+00, v2  }
0x81: {  	v7 =	vld [tilespmem:s2+$0x18C0]  }
0x82: {  	v8 =	vld [tilespmem:s2+$0x18D0];
	v4 =	vadd.f32 $0.0e+00, v4;
	v2 =	vadd.f32 v3, v2  }
0x83: {  	v3 =	vld [tilespmem:s2+$0x1CC0]  }
0x84: {  	v9 =	vld [tilespmem:s2+$0x1CD0];
	v4 =	vadd.f32 v6, v4;
	v1 =	vadd.f32 v1, v2  }
0x85: {  	v2 =	vld [tilespmem:s2+$0x20C0]  }
0x86: {  	v6 =	vld [tilespmem:s2+$0x20D0];
	v4 =	vadd.f32 v5, v4;
	v1 =	vadd.f32 v7, v1  }
0x87: {  	v5 =	vld [tilespmem:s2+$0x24C0]  }
0x88: {  	v7 =	vld [tilespmem:s2+$0x24D0];
	v4 =	vadd.f32 v8, v4;
	v1 =	vadd.f32 v3, v1  }
0x89: {  	v3 =	vld [tilespmem:s2+$0x28C0]  }
0x8a: {  	v8 =	vld [tilespmem:s2+$0x28D0];
	v4 =	vadd.f32 v9, v4;
	v1 =	vadd.f32 v2, v1  }
0x8b: {  	v2 =	vld [tilespmem:s2+$0x2CC0]  }
0x8c: {  	v59 =	vld [tilespmem:s2+$0x2CD0];
	v4 =	vadd.f32 v6, v4;
	v1 =	vadd.f32 v5, v1  }
0x8d: {  	v5 =	vld [tilespmem:s2+$0x30C0]  }
0x8e: {  	v6 =	vld [tilespmem:s2+$0x30D0];
	v4 =	vadd.f32 v7, v4;
	v1 =	vadd.f32 v3, v1  }
0x8f: {  	v3 =	vld [tilespmem:s2+$0x34C0]  }
0x90: {  	v7 =	vld [tilespmem:s2+$0x34D0];
	v4 =	vadd.f32 v8, v4;
	v1 =	vadd.f32 v2, v1  }
0x91: {  	v2 =	vld [tilespmem:s2+$0x38C0]  }
0x92: {  	v8 =	vld [tilespmem:s2+$0x38D0];
	v4 =	vadd.f32 v59, v4;
	v1 =	vadd.f32 v5, v1  }
0x93: {  	v5 =	vld [tilespmem:s2+$0x3CC0]  }
0x94: {  	v60 =	vld [tilespmem:s2+$0x3CD0];
	v4 =	vadd.f32 v6, v4;
	v1 =	vadd.f32 v3, v1  }
0x95: {  	v3 =	vld [tilespmem:s2+$0x40C0]  }
0x96: {  	v6 =	vld [tilespmem:s2+$0x40D0];
	v4 =	vadd.f32 v7, v4;
	v1 =	vadd.f32 v2, v1  }
0x97: {  	v2 =	vld [tilespmem:s2+$0x44C0]  }
0x98: {  	v7 =	vld [tilespmem:s2+$0x44D0];
	v4 =	vadd.f32 v8, v4;
	v1 =	vadd.f32 v5, v1  }
0x99: {  	v5 =	vld [tilespmem:s2+$0x48C0]  }
0x9a: {  	v8 =	vld [tilespmem:s2+$0x48D0];
	v4 =	vadd.f32 v60, v4;
	v1 =	vadd.f32 v3, v1  }
0x9b: {  	v3 =	vld [tilespmem:s2+$0x4CC0]  }
0x9c: {  	v61 =	vld [tilespmem:s2+$0x4CD0];
	v4 =	vadd.f32 v6, v4;
	v1 =	vadd.f32 v2, v1  }
0x9d: {  	v2 =	vld [tilespmem:s2+$0x50C0]  }
0x9e: {  	v6 =	vld [tilespmem:s2+$0x50D0];
	v4 =	vadd.f32 v7, v4;
	v1 =	vadd.f32 v5, v1  }
0x9f: {  	v5 =	vld [tilespmem:s2+$0x54C0]  }
0xa0: {  	v7 =	vld [tilespmem:s2+$0x54D0];
	v4 =	vadd.f32 v8, v4;
	v1 =	vadd.f32 v3, v1  }
0xa1: {  	v3 =	vld [tilespmem:s2+$0x58C0]  }
0xa2: {  	v8 =	vld [tilespmem:s2+$0x58D0];
	v4 =	vadd.f32 v61, v4;
	v1 =	vadd.f32 v2, v1  }
0xa3: {  	v2 =	vld [tilespmem:s2+$0x5CC0]  }
0xa4: {  	v62 =	vld [tilespmem:s2+$0x5CD0];
	v4 =	vadd.f32 v6, v4;
	v1 =	vadd.f32 v5, v1  }
0xa5: {  	v5 =	vld [tilespmem:s2+$0x60C0]  }
0xa6: {  	v6 =	vld [tilespmem:s2+$0x60D0];
	v4 =	vadd.f32 v7, v4;
	v1 =	vadd.f32 v3, v1  }
0xa7: {  	v3 =	vld [tilespmem:s2+$0x64C0]  }
0xa8: {  	v7 =	vld [tilespmem:s2+$0x64D0];
	v4 =	vadd.f32 v8, v4;
	v1 =	vadd.f32 v2, v1  }
0xa9: {  	v8 =	vld [tilespmem:s2+$0x68C0]  }
0xaa: {  	v10 =	vld [tilespmem:s2+$0x68D0];
	v2 =	vadd.f32 v62, v4;
	v1 =	vadd.f32 v5, v1  }
0xab: {  	v4 =	vld [tilespmem:s2+$0x6CC0]  }
0xac: {  	v63 =	vld [tilespmem:s2+$0x70C0];
	v5 =	vadd.f32 v6, v2;
	v1 =	vadd.f32 v3, v1  }
0xad: {  	v6 =	vld [tilespmem:s2+$0x6CD0]  }
0xae: {  	v2 =	vld [tilespmem:s2+$0x7CC0];
	v3 =	vadd.f32 v7, v5;
	v1 =	vadd.f32 v8, v1  }
0xaf: {  	v5 =	vld [tilespmem:s2+$0x70D0]  }
0xb0: {  	v7 =	vadd.f32 v10, v3;
	v3 =	vld [tilespmem:s2+$0x74C0];
	v1 =	vadd.f32 v4, v1  }
0xb1: {  	v4 =	vld [tilespmem:s2+$0x74D0]  }
0xb2: {  	s13 =	simm.s32 $0x80;
	s21 =	simm.s32 $0x1B9B0;
	s22 =	simm.s32 $0x1B9B0;
	v7 =	vadd.f32 v6, v7;
	v6 =	vadd.f32 v63, v1;
	v1 =	vld [tilespmem:s2+$0x78D0]  }
.LBB2_7:
0xb3: {  	p0 =	sne.s32 s13, $0xF80  }
0xb4: {  	v5 =	vadd.f32 v5, v7;
	s22 =	sadd.s32 $0x60, s22;
	s25 =	smov.u32 s13;
	s13 =	sadd.s32 $0x80, s13  }
0xb5: {  	v3 =	vadd.f32 v3, v6;
	v6 =	vld [tilespmem:s2+$0x7CD0]  }
0xb6: {  	v4 =	vadd.f32 v4, v5;
	v5 =	vld [tilespmem:s2+$0x80C0]  }
0xb7: {  	v0 =	vadd.f32 v0, v3;
	v3 =	vld [tilespmem:s2+$0x80D0]  }
0xb8: {  	v1 =	vadd.f32 v1, v4;
	v4 =	vld [tilespmem:s2+$0x84C0]  }
0xb9: {  	s25 =	sshra.s32 s25, $0x2;
	v0 =	vadd.f32 v2, v0;
	v2 =	vld [tilespmem:s2+$0x84D0]  }
0xba: {  	v1 =	vadd.f32 v6, v1;
	v6 =	vld [tilespmem:s2+$0x88C0]  }
0xbb: {  	v0 =	vadd.f32 v5, v0;
	v5 =	vld [tilespmem:s2+$0x88D0]  }
0xbc: {  	v1 =	vadd.f32 v3, v1;
	v3 =	vld [tilespmem:s2+$0x8CC0]  }
0xbd: {  	v0 =	vadd.f32 v4, v0;
	v4 =	vld [tilespmem:s2+$0x8CD0]  }
0xbe: {  	v1 =	vadd.f32 v2, v1;
	v2 =	vld [tilespmem:s2+$0x90C0]  }
0xbf: {  	v0 =	vadd.f32 v6, v0;
	v6 =	vld [tilespmem:s2+$0x90D0]  }
0xc0: {  	v1 =	vadd.f32 v5, v1;
	v5 =	vld [tilespmem:s2+$0x94C0]  }
0xc1: {  	v0 =	vadd.f32 v3, v0;
	v3 =	vld [tilespmem:s2+$0x94D0]  }
0xc2: {  	v1 =	vadd.f32 v4, v1;
	v4 =	vld [tilespmem:s2+$0x98C0]  }
0xc3: {  	v0 =	vadd.f32 v2, v0;
	v2 =	vld [tilespmem:s2+$0x98D0]  }
0xc4: {  	v1 =	vadd.f32 v6, v1;
	v6 =	vld [tilespmem:s2+$0x9CC0]  }
0xc5: {  	v0 =	vadd.f32 v5, v0;
	v5 =	vld [tilespmem:s2+$0x9CD0]  }
0xc6: {  	v1 =	vadd.f32 v3, v1;
	v3 =	vld [tilespmem:s2+$0xA0C0]  }
0xc7: {  	v0 =	vadd.f32 v4, v0;
	v4 =	vld [tilespmem:s2+$0xA0D0]  }
0xc8: {  	v1 =	vadd.f32 v2, v1;
	v2 =	vld [tilespmem:s2+$0xA4C0]  }
0xc9: {  	v0 =	vadd.f32 v6, v0;
	v6 =	vld [tilespmem:s2+$0xA4D0]  }
0xca: {  	v1 =	vadd.f32 v5, v1;
	v5 =	vld [tilespmem:s2+$0xA8C0]  }
0xcb: {  	v0 =	vadd.f32 v3, v0;
	v3 =	vld [tilespmem:s2+$0xA8D0]  }
0xcc: {  	v1 =	vadd.f32 v4, v1;
	v4 =	vld [tilespmem:s2+$0xACC0]  }
0xcd: {  	v0 =	vadd.f32 v2, v0;
	v2 =	vld [tilespmem:s2+$0xACD0]  }
0xce: {  	v1 =	vadd.f32 v6, v1;
	v6 =	vld [tilespmem:s2+$0xB0C0]  }
0xcf: {  	v0 =	vadd.f32 v5, v0;
	v5 =	vld [tilespmem:s2+$0xB0D0]  }
0xd0: {  	v1 =	vadd.f32 v3, v1;
	v3 =	vld [tilespmem:s2+$0xB4C0]  }
0xd1: {  	v0 =	vadd.f32 v4, v0;
	v4 =	vld [tilespmem:s2+$0xB4D0]  }
0xd2: {  	v1 =	vadd.f32 v2, v1;
	v2 =	vld [tilespmem:s2+$0xB8C0]  }
0xd3: {  	v0 =	vadd.f32 v6, v0;
	v6 =	vld [tilespmem:s2+$0xB8D0]  }
0xd4: {  	v1 =	vadd.f32 v5, v1;
	v5 =	vld [tilespmem:s2+$0xBCC0]  }
0xd5: {  	v0 =	vadd.f32 v3, v0;
	v3 =	vld [tilespmem:s2+$0xBCD0]  }
0xd6: {  	v1 =	vadd.f32 v4, v1;
	v4 =	vld [tilespmem:s2+$0xC0C0]  }
0xd7: {  	v0 =	vadd.f32 v2, v0;
	v2 =	vld [tilespmem:s2+$0xC0D0]  }
0xd8: {  	v1 =	vadd.f32 v6, v1;
	v6 =	vld [tilespmem:s2+$0xC4C0]  }
0xd9: {  	v0 =	vadd.f32 v5, v0;
	v5 =	vld [tilespmem:s2+$0xC4D0]  }
0xda: {  	v1 =	vadd.f32 v3, v1;
	v3 =	vld [tilespmem:s2+$0xC8C0]  }
0xdb: {  	v0 =	vadd.f32 v4, v0;
	v4 =	vld [tilespmem:s2+$0xC8D0]  }
0xdc: {  	v1 =	vadd.f32 v2, v1;
	v2 =	vld [tilespmem:s2+$0xCCC0]  }
0xdd: {  	v0 =	vadd.f32 v6, v0;
	v6 =	vld [tilespmem:s2+$0xCCD0]  }
0xde: {  	v1 =	vadd.f32 v5, v1;
	v5 =	vld [tilespmem:s2+$0xD0C0]  }
0xdf: {  	v0 =	vadd.f32 v3, v0;
	v3 =	vld [tilespmem:s2+$0xD0D0]  }
0xe0: {  	v1 =	vadd.f32 v4, v1;
	v4 =	vld [tilespmem:s2+$0x1C5B0]  }
0xe1: {  	v0 =	vadd.f32 v2, v0;
	v2 =	vld [tilespmem:s2+$0x1C5A0];
	s2 =	smov.u32 s25  }
0xe2: {  	v1 =	vadd.f32 v6, v1  }
0xe3: {  	v0 =	vadd.f32 v5, v0  }
0xe4: {  	v1 =	vadd.f32 v3, v1  }
0xe5: {  	v0 =	vmul.f32 $1.999999960e-02, v0;
	[tilespmem:s21+$0x20] =	vst v4  }
0xe6: {  	v1 =	vmul.f32 $1.999999960e-02, v1;
	[tilespmem:s21+$0x10] =	vst v2  }
0xe7: {  	[tilespmem:s21+$0xFFFFFFD0] =	vst v0;
	v0 =	vmul.f32 v2, v0  }
0xe8: {  	[tilespmem:s21+$0xFFFFFFE0] =	vst v1;
	v1 =	vmul.f32 v4, v1  }
0xe9: {  	[tilespmem:s21+$0xFFFFFFF0] =	vst v0  }
0xea: {  	[tilespmem:s21+$0x0] =	vst v1;
	s21 =	smov.u32 s22  }
0xeb: {  	v2 =	vld [tilespmem:s2+$0x14C0]  }
0xec: {  	v3 =	vld [tilespmem:s2+$0x14D0]  }
0xed: {  	v4 =	vld [tilespmem:s2+$0x10C0]  }
0xee: {  	v5 =	vld [tilespmem:s2+$0x10D0]  }
0xef: {  	v6 =	vld [tilespmem:s2+$0xCC0]  }
0xf0: {  	v7 =	vld [tilespmem:s2+$0xCD0]  }
0xf1: {  	v0 =	vld [tilespmem:s2+$0x78C0]  }
0xf2: {  	v8 =	vld [tilespmem:s2+$0x18C0]  }
0xf3: {  	v1 =	vld [tilespmem:s2+$0x70C0]  }
0xf4: {  	v6 =	vadd.f32 $0.0e+00, v6;
	v9 =	vld [tilespmem:s2+$0x18D0]  }
0xf5: {  	v7 =	vadd.f32 $0.0e+00, v7;
	v10 =	vld [tilespmem:s2+$0x1CC0]  }
0xf6: {  	v4 =	vadd.f32 v4, v6;
	v6 =	vld [tilespmem:s2+$0x1CD0]  }
0xf7: {  	v5 =	vadd.f32 v5, v7;
	v7 =	vld [tilespmem:s2+$0x20C0]  }
0xf8: {  	v2 =	vadd.f32 v2, v4;
	v4 =	vld [tilespmem:s2+$0x20D0]  }
0xf9: {  	v3 =	vadd.f32 v3, v5;
	v5 =	vld [tilespmem:s2+$0x24C0]  }
0xfa: {  	v2 =	vadd.f32 v8, v2;
	v8 =	vld [tilespmem:s2+$0x24D0]  }
0xfb: {  	v3 =	vadd.f32 v9, v3;
	v9 =	vld [tilespmem:s2+$0x28C0]  }
0xfc: {  	v2 =	vadd.f32 v10, v2;
	v10 =	vld [tilespmem:s2+$0x28D0]  }
0xfd: {  	v3 =	vadd.f32 v6, v3;
	v6 =	vld [tilespmem:s2+$0x2CC0]  }
0xfe: {  	v2 =	vadd.f32 v7, v2;
	v7 =	vld [tilespmem:s2+$0x2CD0]  }
0xff: {  	v3 =	vadd.f32 v4, v3;
	v4 =	vld [tilespmem:s2+$0x30C0]  }
0x100: {  	v2 =	vadd.f32 v5, v2;
	v5 =	vld [tilespmem:s2+$0x30D0]  }
0x101: {  	v3 =	vadd.f32 v8, v3;
	v8 =	vld [tilespmem:s2+$0x34C0]  }
0x102: {  	v2 =	vadd.f32 v9, v2;
	v9 =	vld [tilespmem:s2+$0x34D0]  }
0x103: {  	v3 =	vadd.f32 v10, v3;
	v10 =	vld [tilespmem:s2+$0x38C0]  }
0x104: {  	v2 =	vadd.f32 v6, v2;
	v6 =	vld [tilespmem:s2+$0x38D0]  }
0x105: {  	v3 =	vadd.f32 v7, v3;
	v7 =	vld [tilespmem:s2+$0x3CC0]  }
0x106: {  	v2 =	vadd.f32 v4, v2;
	v4 =	vld [tilespmem:s2+$0x3CD0]  }
0x107: {  	v3 =	vadd.f32 v5, v3;
	v5 =	vld [tilespmem:s2+$0x40C0]  }
0x108: {  	v2 =	vadd.f32 v8, v2;
	v8 =	vld [tilespmem:s2+$0x40D0]  }
0x109: {  	v3 =	vadd.f32 v9, v3;
	v9 =	vld [tilespmem:s2+$0x44C0]  }
0x10a: {  	v2 =	vadd.f32 v10, v2;
	v10 =	vld [tilespmem:s2+$0x44D0]  }
0x10b: {  	v3 =	vadd.f32 v6, v3;
	v6 =	vld [tilespmem:s2+$0x48C0]  }
0x10c: {  	v2 =	vadd.f32 v7, v2;
	v7 =	vld [tilespmem:s2+$0x48D0]  }
0x10d: {  	v3 =	vadd.f32 v4, v3;
	v4 =	vld [tilespmem:s2+$0x4CC0]  }
0x10e: {  	v2 =	vadd.f32 v5, v2;
	v5 =	vld [tilespmem:s2+$0x4CD0]  }
0x10f: {  	v3 =	vadd.f32 v8, v3;
	v8 =	vld [tilespmem:s2+$0x50C0]  }
0x110: {  	v2 =	vadd.f32 v9, v2;
	v9 =	vld [tilespmem:s2+$0x50D0]  }
0x111: {  	v3 =	vadd.f32 v10, v3;
	v10 =	vld [tilespmem:s2+$0x54C0]  }
0x112: {  	v2 =	vadd.f32 v6, v2;
	v6 =	vld [tilespmem:s2+$0x54D0]  }
0x113: {  	v3 =	vadd.f32 v7, v3;
	v7 =	vld [tilespmem:s2+$0x58C0]  }
0x114: {  	v2 =	vadd.f32 v4, v2;
	v4 =	vld [tilespmem:s2+$0x58D0]  }
0x115: {  	v3 =	vadd.f32 v5, v3;
	v5 =	vld [tilespmem:s2+$0x5CC0]  }
0x116: {  	v2 =	vadd.f32 v8, v2;
	v8 =	vld [tilespmem:s2+$0x5CD0]  }
0x117: {  	v3 =	vadd.f32 v9, v3;
	v9 =	vld [tilespmem:s2+$0x60C0]  }
0x118: {  	v2 =	vadd.f32 v10, v2;
	v10 =	vld [tilespmem:s2+$0x60D0]  }
0x119: {  	v3 =	vadd.f32 v6, v3;
	v6 =	vld [tilespmem:s2+$0x64C0]  }
0x11a: {  	v2 =	vadd.f32 v7, v2;
	v7 =	vld [tilespmem:s2+$0x64D0]  }
0x11b: {  	v3 =	vadd.f32 v4, v3;
	v4 =	vld [tilespmem:s2+$0x68C0]  }
0x11c: {  	v2 =	vadd.f32 v5, v2;
	v11 =	vld [tilespmem:s2+$0x68D0]  }
0x11d: {  	v3 =	vadd.f32 v8, v3;
	v8 =	vld [tilespmem:s2+$0x6CC0]  }
0x11e: {  	v5 =	vadd.f32 v9, v2;
	v9 =	vld [tilespmem:s2+$0x6CD0]  }
0x11f: {  	v3 =	vadd.f32 v10, v3;
	v2 =	vld [tilespmem:s2+$0x7CC0]  }
0x120: {  	v5 =	vadd.f32 v6, v5  }
0x121: {  	v3 =	vadd.f32 v7, v3  }
.Ltmp2:
0x122: {  	v4 =	vadd.f32 v4, v5;
	v5 =	vld [tilespmem:s2+$0x70D0];
	(pc) =	sbr.rel @p0 .LBB2_7-.Ltmp2, $4  }
0x123: {  	v6 =	vadd.f32 v11, v3;
	v3 =	vld [tilespmem:s2+$0x74C0]  }
0x124: {  	v8 =	vadd.f32 v8, v4;
	v4 =	vld [tilespmem:s2+$0x74D0]  }
0x125: {  	v7 =	vadd.f32 v9, v6  }
0x126: {  	v6 =	vadd.f32 v1, v8;
	v1 =	vld [tilespmem:s2+$0x78D0]  }
0x127: {  	v5 =	vadd.f32 v5, v7  }
0x128: {  	v19 =	vld [tilespmem:s2+$0x7CD0];
	v3 =	vadd.f32 v3, v6  }
0x129: {  	v20 =	vld [tilespmem:s2+$0x80C0];
	v4 =	vadd.f32 v4, v5  }
0x12a: {  	v21 =	vld [tilespmem:s2+$0x80D0];
	v0 =	vadd.f32 v0, v3  }
0x12b: {  	v22 =	vld [tilespmem:s2+$0x84C0];
	v1 =	vadd.f32 v1, v4  }
0x12c: {  	v23 =	vld [tilespmem:s2+$0x84D0];
	v0 =	vadd.f32 v2, v0  }
0x12d: {  	v24 =	vld [tilespmem:s2+$0x88C0];
	v1 =	vadd.f32 v19, v1  }
0x12e: {  	v25 =	vld [tilespmem:s2+$0x88D0];
	v0 =	vadd.f32 v20, v0  }
0x12f: {  	v26 =	vld [tilespmem:s2+$0x8CC0];
	v1 =	vadd.f32 v21, v1  }
0x130: {  	v27 =	vld [tilespmem:s2+$0x8CD0];
	v0 =	vadd.f32 v22, v0  }
0x131: {  	v28 =	vld [tilespmem:s2+$0x90C0];
	v1 =	vadd.f32 v23, v1  }
0x132: {  	v29 =	vld [tilespmem:s2+$0x90D0];
	v0 =	vadd.f32 v24, v0  }
0x133: {  	v30 =	vld [tilespmem:s2+$0x94C0];
	v1 =	vadd.f32 v25, v1  }
0x134: {  	v31 =	vld [tilespmem:s2+$0x94D0];
	v0 =	vadd.f32 v26, v0  }
0x135: {  	v32 =	vld [tilespmem:s2+$0x98C0];
	v1 =	vadd.f32 v27, v1  }
0x136: {  	v33 =	vld [tilespmem:s2+$0x98D0];
	v0 =	vadd.f32 v28, v0  }
0x137: {  	v34 =	vld [tilespmem:s2+$0x9CC0];
	v1 =	vadd.f32 v29, v1  }
0x138: {  	v35 =	vld [tilespmem:s2+$0x9CD0];
	v0 =	vadd.f32 v30, v0  }
0x139: {  	v36 =	vld [tilespmem:s2+$0xA0C0];
	v1 =	vadd.f32 v31, v1  }
0x13a: {  	v37 =	vld [tilespmem:s2+$0xA0D0];
	v0 =	vadd.f32 v32, v0  }
0x13b: {  	v38 =	vld [tilespmem:s2+$0xA4C0];
	v1 =	vadd.f32 v33, v1  }
0x13c: {  	v39 =	vld [tilespmem:s2+$0xA4D0];
	v0 =	vadd.f32 v34, v0  }
0x13d: {  	v40 =	vld [tilespmem:s2+$0xA8C0];
	v1 =	vadd.f32 v35, v1  }
0x13e: {  	v41 =	vld [tilespmem:s2+$0xA8D0];
	v0 =	vadd.f32 v36, v0  }
0x13f: {  	v42 =	vld [tilespmem:s2+$0xACC0];
	v1 =	vadd.f32 v37, v1  }
0x140: {  	v43 =	vld [tilespmem:s2+$0xACD0];
	v0 =	vadd.f32 v38, v0  }
0x141: {  	v44 =	vld [tilespmem:s2+$0xB0C0];
	v1 =	vadd.f32 v39, v1  }
0x142: {  	v45 =	vld [tilespmem:s2+$0xB0D0];
	v0 =	vadd.f32 v40, v0  }
0x143: {  	v46 =	vld [tilespmem:s2+$0xB4C0];
	v1 =	vadd.f32 v41, v1  }
0x144: {  	v47 =	vld [tilespmem:s2+$0xB4D0];
	v0 =	vadd.f32 v42, v0  }
0x145: {  	v48 =	vld [tilespmem:s2+$0xB8C0];
	v1 =	vadd.f32 v43, v1  }
0x146: {  	v49 =	vld [tilespmem:s2+$0xB8D0];
	v0 =	vadd.f32 v44, v0  }
0x147: {  	v50 =	vld [tilespmem:s2+$0xBCC0];
	v1 =	vadd.f32 v45, v1  }
0x148: {  	v51 =	vld [tilespmem:s2+$0xBCD0];
	v0 =	vadd.f32 v46, v0  }
0x149: {  	v52 =	vld [tilespmem:s2+$0xC0C0];
	v1 =	vadd.f32 v47, v1  }
0x14a: {  	v53 =	vld [tilespmem:s2+$0xC0D0];
	v0 =	vadd.f32 v48, v0  }
0x14b: {  	v54 =	vld [tilespmem:s2+$0xC4C0];
	v1 =	vadd.f32 v49, v1  }
0x14c: {  	v55 =	vld [tilespmem:s2+$0xC4D0];
	v0 =	vadd.f32 v50, v0  }
0x14d: {  	v56 =	vld [tilespmem:s2+$0xC8C0];
	v1 =	vadd.f32 v51, v1  }
0x14e: {  	v57 =	vld [tilespmem:s2+$0xC8D0];
	v0 =	vadd.f32 v52, v0  }
0x14f: {  	v58 =	vld [tilespmem:s2+$0xCCC0];
	v1 =	vadd.f32 v53, v1  }
0x150: {  	v59 =	vld [tilespmem:s2+$0xCCD0];
	v0 =	vadd.f32 v54, v0  }
0x151: {  	v60 =	vld [tilespmem:s2+$0xD0C0];
	v1 =	vadd.f32 v55, v1  }
0x152: {  	v61 =	vld [tilespmem:s2+$0xD0D0];
	v0 =	vadd.f32 v56, v0  }
0x153: {  	v62 =	vld [tilespmem:s2+$0x1C5B0];
	v1 =	vadd.f32 v57, v1  }
0x154: {  	v63 =	vld [tilespmem:s2+$0x1C5A0];
	v0 =	vadd.f32 v58, v0  }
0x155: {  	v1 =	vadd.f32 v59, v1  }
0x156: {  	v0 =	vadd.f32 v60, v0  }
0x157: {  	v1 =	vadd.f32 v61, v1  }
0x158: {  	[tilespmem:s21+$0x20] =	vst v62;
	v0 =	vmul.f32 $1.999999960e-02, v0  }
0x159: {  	[tilespmem:s21+$0x10] =	vst v63;
	v1 =	vmul.f32 $1.999999960e-02, v1  }
0x15a: {  	[tilespmem:s21+$0xFFFFFFD0] =	vst v0;
	v0 =	vmul.f32 v63, v0  }
0x15b: {  	s25 =	smul.u32 $0xC, s14;
	[tilespmem:s21+$0xFFFFFFE0] =	vst v1;
	v1 =	vmul.f32 v62, v1  }
0x15c: {  	p0 =	seq.s32 s3, $0x7;
	[tilespmem:s21+$0xFFFFFFF0] =	vst v0  }
.Ltmp3:
0x15d: {  	s2 =	sadd.s32 s4, s25;
	[tilespmem:s21+$0x0] =	vst v1;
	(pc) =	sbr.rel @p0 .LBB2_12-.Ltmp3, $4  }
0x15e: {  	[hbm4b:s2+s6] =	stream.linear.scatter [tilespmem:s0], [sflag:$0x5], $0xC00, $0x38;
	[tilespmem:$0x1D6A0] =	vst v63  }
0x15f: {  	_ =	swait.ge [sflag:s24], $0xC00  }
0x160: {  	[sflag:s24] =	ssyncset.done $0x0  }
0x161: {  	[sflag:s24] =	ssyncadd.s32 $0xFFFFF400  }
0x162: {  	s2 =	rddreg [dreg:$0x7]  }
0x163: {  	s2 =	sadd.s32 s11, s2  }
0x164: {  	s2 =	sshrl.u32 s2, $0x3  }
0x165: {  	s25 =	simm.s32 $0x0;
	s2 =	sadd.s32 s7, s2  }
0x166: {  	[tilespmem:s25], [sflag:$0x5] =	stream.strided.gather [hbm4b:s2+s18], $0x640, s19, s18, $0x38;
	[tilespmem:$0x1D6A0] =	vst v63  }
0x167: {  	_ =	swait.ge [sflag:s24], $0x640  }
0x168: {  	[sflag:s24] =	ssyncset.done $0x0  }
0x169: {  	s11 =	simm.s32 $0x0;
	[sflag:s24] =	ssyncadd.s32 $0xFFFFF9C0  }
0x16a: {  	v0 =	vld [tilespmem:s11+$0x1C9A0]  }
0x16b: {  	v1 =	vld [tilespmem:s11+$0x1D020];
	_ =	sdelay $0x4  }
0x16c: {  	v2 =	vand.u32 $0xFFFFFFF8, v1;
	v0 =	vshll.u32 v0, $0x5  }
0x16d: {  	v1 =	vand.u32 $0x7, v1;
	v0 =	vadd.s32 v0, v2  }
0x16e: {  	s2 =	simm.s32 $0x10;
	v0 =	vor.u32 v1, v0  }
0x16f: {  	v2 =	vld [tilespmem:s2+$0x1D020]  }
0x170: {  	v1 =	vld [tilespmem:s2+$0x1C9A0];
	_ =	sdelay $0x2  }
0x171: {  	v0 =	vld.idx.msk [tilespmem:v0+s6+$0x0], $0xffff;
	_ =	sdelay $0x1  }
0x172: {  	v3 =	vand.u32 $0xFFFFFFF8, v2;
	v1 =	vshll.u32 v1, $0x5  }
0x173: {  	v2 =	vand.u32 $0x7, v2;
	v1 =	vadd.s32 v1, v3  }
0x174: {  	v1 =	vor.u32 v2, v1  }
0x175: {  	s13 =	simm.s32 $0x20;
	v3 =	vtrunc.f32 v0  }
0x176: {  	s14 =	simm.s32 $0xC0;
	v0 =	vld [tilespmem:s13+$0x1C9A0];
	v2 =	vcvt.f32.s32 v3  }
.LBB2_10:
0x177: {  	p0 =	sne.s32 s14, $0x19C0;
	v3 =	vld [tilespmem:s13+$0x1D020]  }
0x178: {  	[tilespmem:s11+$0x640] =	vst v2;
	s11 =	smov.u32 s2;
	s2 =	smov.u32 s13  }
0x179: {  	v2 =	vld.idx.msk [tilespmem:v1+s6+$0x0], $0xffff;
	_ =	sdelay $0x2  }
.Ltmp4:
0x17a: {  	v0 =	vshll.u32 v0, $0x5;
	v1 =	vand.u32 $0xFFFFFFF8, v3;
	(pc) =	sbr.rel @p0 .LBB2_10-.Ltmp4, $4  }
0x17b: {  	v3 =	vand.u32 $0x7, v3;
	v0 =	vadd.s32 v0, v1  }
0x17c: {  	v1 =	vor.u32 v3, v0  }
0x17d: {  	s13 =	sshra.s32 s14, $0x2;
	v2 =	vtrunc.f32 v2  }
0x17e: {  	s14 =	sadd.s32 $0x40, s14;
	v2 =	vcvt.f32.s32 v2;
	v0 =	vld [tilespmem:s13+$0x1C9A0]  }
0x17f: {  	_ = 	snop  }
0x180: {  	v3 =	vld [tilespmem:s13+$0x1D020];
	_ =	sdelay $0x1  }
0x181: {  	[tilespmem:s11+$0x640] =	vst v2  }
0x182: {  	v1 =	vld.idx.msk [tilespmem:v1+s6+$0x0], $0xffff;
	_ =	sdelay $0x1  }
0x183: {  	v0 =	vshll.u32 v0, $0x5;
	v63 =	vand.u32 $0xFFFFFFF8, v3  }
0x184: {  	v3 =	vand.u32 $0x7, v3;
	v0 =	vadd.s32 v0, v63  }
0x185: {  	v0 =	vor.u32 v3, v0  }
0x186: {  	v1 =	vtrunc.f32 v1  }
0x187: {  	v1 =	vcvt.f32.s32 v1;
	_ =	sdelay $0x1  }
0x188: {  	[tilespmem:s2+$0x640] =	vst v1  }
0x189: {  	v0 =	vld.idx.msk [tilespmem:v0+s6+$0x0], $0xffff;
	_ =	sdelay $0x4  }
0x18a: {  	v0 =	vtrunc.f32 v0  }
0x18b: {  	v0 =	vcvt.f32.s32 v0;
	_ =	sdelay $0x1  }
0x18c: {  	s22 =	simm.s32 $0x640;
	s25 =	simm.s32 $0xCC0;
	[tilespmem:s13+$0x640] =	vst v0  }
0x18d: {  	[tilespmem:s25], [sflag:$0x1] =	stream.indirect.gather [hbm4b:s10+s20], $0x20, s22, s20, $0xb8;
	[tilespmem:$0x1D6A0] =	vst v63  }
.LBB2_12:
0x18e: {  	_ =	swait.ge [sflag:s5], $0xD000  }
0x18f: {  	[sflag:s5] =	ssyncset.done $0x0  }
0x190: {  	s2 =	sadd.s32 s1, s17;
	s11 =	simm.s32 $0x0;
	[sflag:s5] =	ssyncadd.s32 $0xFFFF3000  }
0x191: {  	[tilespmem:s29], [sflag:$0x5] =	stream.linear.gather [hbm4b:s2+s11], $0x20, $0x38;
	[tilespmem:$0x1D6A0] =	vst v63  }
0x192: {  	_ =	swait.ge [sflag:s24], $0x20  }
0x193: {  	[sflag:s24] =	ssyncset.done $0x0  }
0x194: {  	[sflag:s24] =	ssyncadd.s32 $0xFFFFFFE0  }
0x195: {  	[tilespmem:s30], [sflag:$0x3] =	stream.indirect.gather [hbm4b:s8+s18], $0x20, s29, s18, $0xb8;
	[tilespmem:$0x1D6A0] =	vst v63  }
0x196: {  	_ =	swait.ge [sflag:s31], $0x400  }
0x197: {  	[sflag:s31] =	ssyncset.done $0x0  }
0x198: {  	s2 =	simm.s32 $0x0;
	[sflag:s31] =	ssyncadd.s32 $0xFFFFFC00  }
0x199: {  	v1 =	vld [tilespmem:s2+$0xF180]  }
0x19a: {  	v2 =	vld [tilespmem:s2+$0xE980]  }
0x19b: {  	v3 =	vld [tilespmem:s2+$0xED80]  }
0x19c: {  	v4 =	vld [tilespmem:s2+$0xE990]  }
0x19d: {  	v5 =	vld [tilespmem:s2+$0xF190]  }
0x19e: {  	v6 =	vld [tilespmem:s2+$0xED90]  }
0x19f: {  	v0 =	vld [tilespmem:s2+$0x15580];
	v2 =	vadd.f32 $0.0e+00, v2  }
0x1a0: {  	v7 =	vld [tilespmem:s2+$0xF580]  }
0x1a1: {  	v8 =	vld [tilespmem:s2+$0xF590];
	v4 =	vadd.f32 $0.0e+00, v4;
	v2 =	vadd.f32 v3, v2  }
0x1a2: {  	v3 =	vld [tilespmem:s2+$0xF980]  }
0x1a3: {  	v9 =	vld [tilespmem:s2+$0xF990];
	v4 =	vadd.f32 v6, v4;
	v1 =	vadd.f32 v1, v2  }
0x1a4: {  	v2 =	vld [tilespmem:s2+$0xFD80]  }
0x1a5: {  	v6 =	vld [tilespmem:s2+$0xFD90];
	v4 =	vadd.f32 v5, v4;
	v1 =	vadd.f32 v7, v1  }
0x1a6: {  	v5 =	vld [tilespmem:s2+$0x10180]  }
0x1a7: {  	v7 =	vld [tilespmem:s2+$0x10190];
	v4 =	vadd.f32 v8, v4;
	v1 =	vadd.f32 v3, v1  }
0x1a8: {  	v3 =	vld [tilespmem:s2+$0x10580]  }
0x1a9: {  	v8 =	vld [tilespmem:s2+$0x10590];
	v4 =	vadd.f32 v9, v4;
	v1 =	vadd.f32 v2, v1  }
0x1aa: {  	v2 =	vld [tilespmem:s2+$0x10980]  }
0x1ab: {  	v59 =	vld [tilespmem:s2+$0x10990];
	v4 =	vadd.f32 v6, v4;
	v1 =	vadd.f32 v5, v1  }
0x1ac: {  	v5 =	vld [tilespmem:s2+$0x10D80]  }
0x1ad: {  	v6 =	vld [tilespmem:s2+$0x10D90];
	v4 =	vadd.f32 v7, v4;
	v1 =	vadd.f32 v3, v1  }
0x1ae: {  	v3 =	vld [tilespmem:s2+$0x11180]  }
0x1af: {  	v7 =	vld [tilespmem:s2+$0x11190];
	v4 =	vadd.f32 v8, v4;
	v1 =	vadd.f32 v2, v1  }
0x1b0: {  	v2 =	vld [tilespmem:s2+$0x11580]  }
0x1b1: {  	v8 =	vld [tilespmem:s2+$0x11590];
	v4 =	vadd.f32 v59, v4;
	v1 =	vadd.f32 v5, v1  }
0x1b2: {  	v5 =	vld [tilespmem:s2+$0x11980]  }
0x1b3: {  	v60 =	vld [tilespmem:s2+$0x11990];
	v4 =	vadd.f32 v6, v4;
	v1 =	vadd.f32 v3, v1  }
0x1b4: {  	v3 =	vld [tilespmem:s2+$0x11D80]  }
0x1b5: {  	v6 =	vld [tilespmem:s2+$0x11D90];
	v4 =	vadd.f32 v7, v4;
	v1 =	vadd.f32 v2, v1  }
0x1b6: {  	v2 =	vld [tilespmem:s2+$0x12180]  }
0x1b7: {  	v7 =	vld [tilespmem:s2+$0x12190];
	v4 =	vadd.f32 v8, v4;
	v1 =	vadd.f32 v5, v1  }
0x1b8: {  	v5 =	vld [tilespmem:s2+$0x12580]  }
0x1b9: {  	v8 =	vld [tilespmem:s2+$0x12590];
	v4 =	vadd.f32 v60, v4;
	v1 =	vadd.f32 v3, v1  }
0x1ba: {  	v3 =	vld [tilespmem:s2+$0x12980]  }
0x1bb: {  	v61 =	vld [tilespmem:s2+$0x12990];
	v4 =	vadd.f32 v6, v4;
	v1 =	vadd.f32 v2, v1  }
0x1bc: {  	v2 =	vld [tilespmem:s2+$0x12D80]  }
0x1bd: {  	v6 =	vld [tilespmem:s2+$0x12D90];
	v4 =	vadd.f32 v7, v4;
	v1 =	vadd.f32 v5, v1  }
0x1be: {  	v5 =	vld [tilespmem:s2+$0x13180]  }
0x1bf: {  	v7 =	vld [tilespmem:s2+$0x13190];
	v4 =	vadd.f32 v8, v4;
	v1 =	vadd.f32 v3, v1  }
0x1c0: {  	v3 =	vld [tilespmem:s2+$0x13580]  }
0x1c1: {  	v8 =	vld [tilespmem:s2+$0x13590];
	v4 =	vadd.f32 v61, v4;
	v1 =	vadd.f32 v2, v1  }
0x1c2: {  	v2 =	vld [tilespmem:s2+$0x13980]  }
0x1c3: {  	v62 =	vld [tilespmem:s2+$0x13990];
	v4 =	vadd.f32 v6, v4;
	v1 =	vadd.f32 v5, v1  }
0x1c4: {  	v5 =	vld [tilespmem:s2+$0x13D80]  }
0x1c5: {  	v6 =	vld [tilespmem:s2+$0x13D90];
	v4 =	vadd.f32 v7, v4;
	v1 =	vadd.f32 v3, v1  }
0x1c6: {  	v3 =	vld [tilespmem:s2+$0x14180]  }
0x1c7: {  	v7 =	vld [tilespmem:s2+$0x14190];
	v4 =	vadd.f32 v8, v4;
	v1 =	vadd.f32 v2, v1  }
0x1c8: {  	v8 =	vld [tilespmem:s2+$0x14580]  }
0x1c9: {  	v10 =	vld [tilespmem:s2+$0x14590];
	v2 =	vadd.f32 v62, v4;
	v1 =	vadd.f32 v5, v1  }
0x1ca: {  	v4 =	vld [tilespmem:s2+$0x14980]  }
0x1cb: {  	v63 =	vld [tilespmem:s2+$0x14D80];
	v5 =	vadd.f32 v6, v2;
	v1 =	vadd.f32 v3, v1  }
0x1cc: {  	v6 =	vld [tilespmem:s2+$0x14990]  }
0x1cd: {  	v2 =	vld [tilespmem:s2+$0x15980];
	v3 =	vadd.f32 v7, v5;
	v1 =	vadd.f32 v8, v1  }
0x1ce: {  	v5 =	vld [tilespmem:s2+$0x14D90]  }
0x1cf: {  	v7 =	vadd.f32 v10, v3;
	v3 =	vld [tilespmem:s2+$0x15180];
	v1 =	vadd.f32 v4, v1  }
0x1d0: {  	v4 =	vld [tilespmem:s2+$0x15190]  }
0x1d1: {  	s14 =	simm.s32 $0x1B9B0;
	s13 =	simm.s32 $0x80;
	s11 =	simm.s32 $0x1B9B0;
	v7 =	vadd.f32 v6, v7;
	v6 =	vadd.f32 v63, v1;
	v1 =	vld [tilespmem:s2+$0x15590]  }
.LBB2_13:
0x1d2: {  	p0 =	sne.s32 s13, $0xF80  }
0x1d3: {  	v5 =	vadd.f32 v5, v7;
	s14 =	sadd.s32 $0x60, s14;
	s17 =	smov.u32 s13;
	s13 =	sadd.s32 $0x80, s13  }
0x1d4: {  	v3 =	vadd.f32 v3, v6;
	v6 =	vld [tilespmem:s2+$0x15990]  }
0x1d5: {  	v4 =	vadd.f32 v4, v5;
	v5 =	vld [tilespmem:s2+$0x15D80]  }
0x1d6: {  	v0 =	vadd.f32 v0, v3;
	v3 =	vld [tilespmem:s2+$0x15D90]  }
0x1d7: {  	v1 =	vadd.f32 v1, v4;
	v4 =	vld [tilespmem:s2+$0x16180]  }
0x1d8: {  	s17 =	sshra.s32 s17, $0x2;
	v0 =	vadd.f32 v2, v0;
	v2 =	vld [tilespmem:s2+$0x16190]  }
0x1d9: {  	v1 =	vadd.f32 v6, v1;
	v6 =	vld [tilespmem:s2+$0x16580]  }
0x1da: {  	v0 =	vadd.f32 v5, v0;
	v5 =	vld [tilespmem:s2+$0x16590]  }
0x1db: {  	v1 =	vadd.f32 v3, v1;
	v3 =	vld [tilespmem:s2+$0x16980]  }
0x1dc: {  	v0 =	vadd.f32 v4, v0;
	v4 =	vld [tilespmem:s2+$0x16990]  }
0x1dd: {  	v1 =	vadd.f32 v2, v1;
	v2 =	vld [tilespmem:s2+$0x16D80]  }
0x1de: {  	v0 =	vadd.f32 v6, v0;
	v6 =	vld [tilespmem:s2+$0x16D90]  }
0x1df: {  	v1 =	vadd.f32 v5, v1;
	v5 =	vld [tilespmem:s2+$0x17180]  }
0x1e0: {  	v0 =	vadd.f32 v3, v0;
	v3 =	vld [tilespmem:s2+$0x17190]  }
0x1e1: {  	v1 =	vadd.f32 v4, v1;
	v4 =	vld [tilespmem:s2+$0x17580]  }
0x1e2: {  	v0 =	vadd.f32 v2, v0;
	v2 =	vld [tilespmem:s2+$0x17590]  }
0x1e3: {  	v1 =	vadd.f32 v6, v1;
	v6 =	vld [tilespmem:s2+$0x17980]  }
0x1e4: {  	v0 =	vadd.f32 v5, v0;
	v5 =	vld [tilespmem:s2+$0x17990]  }
0x1e5: {  	v1 =	vadd.f32 v3, v1;
	v3 =	vld [tilespmem:s2+$0x17D80]  }
0x1e6: {  	v0 =	vadd.f32 v4, v0;
	v4 =	vld [tilespmem:s2+$0x17D90]  }
0x1e7: {  	v1 =	vadd.f32 v2, v1;
	v2 =	vld [tilespmem:s2+$0x18180]  }
0x1e8: {  	v0 =	vadd.f32 v6, v0;
	v6 =	vld [tilespmem:s2+$0x18190]  }
0x1e9: {  	v1 =	vadd.f32 v5, v1;
	v5 =	vld [tilespmem:s2+$0x18580]  }
0x1ea: {  	v0 =	vadd.f32 v3, v0;
	v3 =	vld [tilespmem:s2+$0x18590]  }
0x1eb: {  	v1 =	vadd.f32 v4, v1;
	v4 =	vld [tilespmem:s2+$0x18980]  }
0x1ec: {  	v0 =	vadd.f32 v2, v0;
	v2 =	vld [tilespmem:s2+$0x18990]  }
0x1ed: {  	v1 =	vadd.f32 v6, v1;
	v6 =	vld [tilespmem:s2+$0x18D80]  }
0x1ee: {  	v0 =	vadd.f32 v5, v0;
	v5 =	vld [tilespmem:s2+$0x18D90]  }
0x1ef: {  	v1 =	vadd.f32 v3, v1;
	v3 =	vld [tilespmem:s2+$0x19180]  }
0x1f0: {  	v0 =	vadd.f32 v4, v0;
	v4 =	vld [tilespmem:s2+$0x19190]  }
0x1f1: {  	v1 =	vadd.f32 v2, v1;
	v2 =	vld [tilespmem:s2+$0x19580]  }
0x1f2: {  	v0 =	vadd.f32 v6, v0;
	v6 =	vld [tilespmem:s2+$0x19590]  }
0x1f3: {  	v1 =	vadd.f32 v5, v1;
	v5 =	vld [tilespmem:s2+$0x19980]  }
0x1f4: {  	v0 =	vadd.f32 v3, v0;
	v3 =	vld [tilespmem:s2+$0x19990]  }
0x1f5: {  	v1 =	vadd.f32 v4, v1;
	v4 =	vld [tilespmem:s2+$0x19D80]  }
0x1f6: {  	v0 =	vadd.f32 v2, v0;
	v2 =	vld [tilespmem:s2+$0x19D90]  }
0x1f7: {  	v1 =	vadd.f32 v6, v1;
	v6 =	vld [tilespmem:s2+$0x1A180]  }
0x1f8: {  	v0 =	vadd.f32 v5, v0;
	v5 =	vld [tilespmem:s2+$0x1A190]  }
0x1f9: {  	v1 =	vadd.f32 v3, v1;
	v3 =	vld [tilespmem:s2+$0x1A580]  }
0x1fa: {  	v0 =	vadd.f32 v4, v0;
	v4 =	vld [tilespmem:s2+$0x1A590]  }
0x1fb: {  	v1 =	vadd.f32 v2, v1;
	v2 =	vld [tilespmem:s2+$0x1A980]  }
0x1fc: {  	v0 =	vadd.f32 v6, v0;
	v6 =	vld [tilespmem:s2+$0x1A990]  }
0x1fd: {  	v1 =	vadd.f32 v5, v1;
	v5 =	vld [tilespmem:s2+$0x1AD80]  }
0x1fe: {  	v0 =	vadd.f32 v3, v0;
	v3 =	vld [tilespmem:s2+$0x1AD90]  }
0x1ff: {  	v1 =	vadd.f32 v4, v1;
	v4 =	vld [tilespmem:s2+$0x1C5B0]  }
0x200: {  	v0 =	vadd.f32 v2, v0;
	v2 =	vld [tilespmem:s2+$0x1C5A0];
	s2 =	smov.u32 s17  }
0x201: {  	v1 =	vadd.f32 v6, v1  }
0x202: {  	v0 =	vadd.f32 v5, v0  }
0x203: {  	v1 =	vadd.f32 v3, v1  }
0x204: {  	v0 =	vmul.f32 $1.999999960e-02, v0;
	[tilespmem:s11+$0x20] =	vst v4  }
0x205: {  	v1 =	vmul.f32 $1.999999960e-02, v1;
	[tilespmem:s11+$0x10] =	vst v2  }
0x206: {  	[tilespmem:s11+$0xFFFFFFD0] =	vst v0;
	v0 =	vmul.f32 v2, v0  }
0x207: {  	[tilespmem:s11+$0xFFFFFFE0] =	vst v1;
	v1 =	vmul.f32 v4, v1  }
0x208: {  	[tilespmem:s11+$0xFFFFFFF0] =	vst v0  }
0x209: {  	[tilespmem:s11+$0x0] =	vst v1;
	s11 =	smov.u32 s14  }
0x20a: {  	v2 =	vld [tilespmem:s2+$0xF180]  }
0x20b: {  	v3 =	vld [tilespmem:s2+$0xF190]  }
0x20c: {  	v4 =	vld [tilespmem:s2+$0xED80]  }
0x20d: {  	v5 =	vld [tilespmem:s2+$0xED90]  }
0x20e: {  	v6 =	vld [tilespmem:s2+$0xE980]  }
0x20f: {  	v7 =	vld [tilespmem:s2+$0xE990]  }
0x210: {  	v0 =	vld [tilespmem:s2+$0x15580]  }
0x211: {  	v8 =	vld [tilespmem:s2+$0xF580]  }
0x212: {  	v1 =	vld [tilespmem:s2+$0x14D80]  }
0x213: {  	v6 =	vadd.f32 $0.0e+00, v6;
	v9 =	vld [tilespmem:s2+$0xF590]  }
0x214: {  	v7 =	vadd.f32 $0.0e+00, v7;
	v10 =	vld [tilespmem:s2+$0xF980]  }
0x215: {  	v4 =	vadd.f32 v4, v6;
	v6 =	vld [tilespmem:s2+$0xF990]  }
0x216: {  	v5 =	vadd.f32 v5, v7;
	v7 =	vld [tilespmem:s2+$0xFD80]  }
0x217: {  	v2 =	vadd.f32 v2, v4;
	v4 =	vld [tilespmem:s2+$0xFD90]  }
0x218: {  	v3 =	vadd.f32 v3, v5;
	v5 =	vld [tilespmem:s2+$0x10180]  }
0x219: {  	v2 =	vadd.f32 v8, v2;
	v8 =	vld [tilespmem:s2+$0x10190]  }
0x21a: {  	v3 =	vadd.f32 v9, v3;
	v9 =	vld [tilespmem:s2+$0x10580]  }
0x21b: {  	v2 =	vadd.f32 v10, v2;
	v10 =	vld [tilespmem:s2+$0x10590]  }
0x21c: {  	v3 =	vadd.f32 v6, v3;
	v6 =	vld [tilespmem:s2+$0x10980]  }
0x21d: {  	v2 =	vadd.f32 v7, v2;
	v7 =	vld [tilespmem:s2+$0x10990]  }
0x21e: {  	v3 =	vadd.f32 v4, v3;
	v4 =	vld [tilespmem:s2+$0x10D80]  }
0x21f: {  	v2 =	vadd.f32 v5, v2;
	v5 =	vld [tilespmem:s2+$0x10D90]  }
0x220: {  	v3 =	vadd.f32 v8, v3;
	v8 =	vld [tilespmem:s2+$0x11180]  }
0x221: {  	v2 =	vadd.f32 v9, v2;
	v9 =	vld [tilespmem:s2+$0x11190]  }
0x222: {  	v3 =	vadd.f32 v10, v3;
	v10 =	vld [tilespmem:s2+$0x11580]  }
0x223: {  	v2 =	vadd.f32 v6, v2;
	v6 =	vld [tilespmem:s2+$0x11590]  }
0x224: {  	v3 =	vadd.f32 v7, v3;
	v7 =	vld [tilespmem:s2+$0x11980]  }
0x225: {  	v2 =	vadd.f32 v4, v2;
	v4 =	vld [tilespmem:s2+$0x11990]  }
0x226: {  	v3 =	vadd.f32 v5, v3;
	v5 =	vld [tilespmem:s2+$0x11D80]  }
0x227: {  	v2 =	vadd.f32 v8, v2;
	v8 =	vld [tilespmem:s2+$0x11D90]  }
0x228: {  	v3 =	vadd.f32 v9, v3;
	v9 =	vld [tilespmem:s2+$0x12180]  }
0x229: {  	v2 =	vadd.f32 v10, v2;
	v10 =	vld [tilespmem:s2+$0x12190]  }
0x22a: {  	v3 =	vadd.f32 v6, v3;
	v6 =	vld [tilespmem:s2+$0x12580]  }
0x22b: {  	v2 =	vadd.f32 v7, v2;
	v7 =	vld [tilespmem:s2+$0x12590]  }
0x22c: {  	v3 =	vadd.f32 v4, v3;
	v4 =	vld [tilespmem:s2+$0x12980]  }
0x22d: {  	v2 =	vadd.f32 v5, v2;
	v5 =	vld [tilespmem:s2+$0x12990]  }
0x22e: {  	v3 =	vadd.f32 v8, v3;
	v8 =	vld [tilespmem:s2+$0x12D80]  }
0x22f: {  	v2 =	vadd.f32 v9, v2;
	v9 =	vld [tilespmem:s2+$0x12D90]  }
0x230: {  	v3 =	vadd.f32 v10, v3;
	v10 =	vld [tilespmem:s2+$0x13180]  }
0x231: {  	v2 =	vadd.f32 v6, v2;
	v6 =	vld [tilespmem:s2+$0x13190]  }
0x232: {  	v3 =	vadd.f32 v7, v3;
	v7 =	vld [tilespmem:s2+$0x13580]  }
0x233: {  	v2 =	vadd.f32 v4, v2;
	v4 =	vld [tilespmem:s2+$0x13590]  }
0x234: {  	v3 =	vadd.f32 v5, v3;
	v5 =	vld [tilespmem:s2+$0x13980]  }
0x235: {  	v2 =	vadd.f32 v8, v2;
	v8 =	vld [tilespmem:s2+$0x13990]  }
0x236: {  	v3 =	vadd.f32 v9, v3;
	v9 =	vld [tilespmem:s2+$0x13D80]  }
0x237: {  	v2 =	vadd.f32 v10, v2;
	v10 =	vld [tilespmem:s2+$0x13D90]  }
0x238: {  	v3 =	vadd.f32 v6, v3;
	v6 =	vld [tilespmem:s2+$0x14180]  }
0x239: {  	v2 =	vadd.f32 v7, v2;
	v7 =	vld [tilespmem:s2+$0x14190]  }
0x23a: {  	v3 =	vadd.f32 v4, v3;
	v4 =	vld [tilespmem:s2+$0x14580]  }
0x23b: {  	v2 =	vadd.f32 v5, v2;
	v11 =	vld [tilespmem:s2+$0x14590]  }
0x23c: {  	v3 =	vadd.f32 v8, v3;
	v8 =	vld [tilespmem:s2+$0x14980]  }
0x23d: {  	v5 =	vadd.f32 v9, v2;
	v9 =	vld [tilespmem:s2+$0x14990]  }
0x23e: {  	v3 =	vadd.f32 v10, v3;
	v2 =	vld [tilespmem:s2+$0x15980]  }
0x23f: {  	v5 =	vadd.f32 v6, v5  }
0x240: {  	v3 =	vadd.f32 v7, v3  }
.Ltmp5:
0x241: {  	v4 =	vadd.f32 v4, v5;
	v5 =	vld [tilespmem:s2+$0x14D90];
	(pc) =	sbr.rel @p0 .LBB2_13-.Ltmp5, $4  }
0x242: {  	v6 =	vadd.f32 v11, v3;
	v3 =	vld [tilespmem:s2+$0x15180]  }
0x243: {  	v8 =	vadd.f32 v8, v4;
	v4 =	vld [tilespmem:s2+$0x15190]  }
0x244: {  	v7 =	vadd.f32 v9, v6  }
0x245: {  	v6 =	vadd.f32 v1, v8;
	v1 =	vld [tilespmem:s2+$0x15590]  }
0x246: {  	v5 =	vadd.f32 v5, v7  }
0x247: {  	v19 =	vld [tilespmem:s2+$0x15990];
	v3 =	vadd.f32 v3, v6  }
0x248: {  	v20 =	vld [tilespmem:s2+$0x15D80];
	v4 =	vadd.f32 v4, v5  }
0x249: {  	v21 =	vld [tilespmem:s2+$0x15D90];
	v0 =	vadd.f32 v0, v3  }
0x24a: {  	v22 =	vld [tilespmem:s2+$0x16180];
	v1 =	vadd.f32 v1, v4  }
0x24b: {  	v23 =	vld [tilespmem:s2+$0x16190];
	v0 =	vadd.f32 v2, v0  }
0x24c: {  	v24 =	vld [tilespmem:s2+$0x16580];
	v1 =	vadd.f32 v19, v1  }
0x24d: {  	v25 =	vld [tilespmem:s2+$0x16590];
	v0 =	vadd.f32 v20, v0  }
0x24e: {  	v26 =	vld [tilespmem:s2+$0x16980];
	v1 =	vadd.f32 v21, v1  }
0x24f: {  	v27 =	vld [tilespmem:s2+$0x16990];
	v0 =	vadd.f32 v22, v0  }
0x250: {  	v28 =	vld [tilespmem:s2+$0x16D80];
	v1 =	vadd.f32 v23, v1  }
0x251: {  	v29 =	vld [tilespmem:s2+$0x16D90];
	v0 =	vadd.f32 v24, v0  }
0x252: {  	v30 =	vld [tilespmem:s2+$0x17180];
	v1 =	vadd.f32 v25, v1  }
0x253: {  	v31 =	vld [tilespmem:s2+$0x17190];
	v0 =	vadd.f32 v26, v0  }
0x254: {  	v32 =	vld [tilespmem:s2+$0x17580];
	v1 =	vadd.f32 v27, v1  }
0x255: {  	v33 =	vld [tilespmem:s2+$0x17590];
	v0 =	vadd.f32 v28, v0  }
0x256: {  	v34 =	vld [tilespmem:s2+$0x17980];
	v1 =	vadd.f32 v29, v1  }
0x257: {  	v35 =	vld [tilespmem:s2+$0x17990];
	v0 =	vadd.f32 v30, v0  }
0x258: {  	v36 =	vld [tilespmem:s2+$0x17D80];
	v1 =	vadd.f32 v31, v1  }
0x259: {  	v37 =	vld [tilespmem:s2+$0x17D90];
	v0 =	vadd.f32 v32, v0  }
0x25a: {  	v38 =	vld [tilespmem:s2+$0x18180];
	v1 =	vadd.f32 v33, v1  }
0x25b: {  	v39 =	vld [tilespmem:s2+$0x18190];
	v0 =	vadd.f32 v34, v0  }
0x25c: {  	v40 =	vld [tilespmem:s2+$0x18580];
	v1 =	vadd.f32 v35, v1  }
0x25d: {  	v41 =	vld [tilespmem:s2+$0x18590];
	v0 =	vadd.f32 v36, v0  }
0x25e: {  	v42 =	vld [tilespmem:s2+$0x18980];
	v1 =	vadd.f32 v37, v1  }
0x25f: {  	v43 =	vld [tilespmem:s2+$0x18990];
	v0 =	vadd.f32 v38, v0  }
0x260: {  	v44 =	vld [tilespmem:s2+$0x18D80];
	v1 =	vadd.f32 v39, v1  }
0x261: {  	v45 =	vld [tilespmem:s2+$0x18D90];
	v0 =	vadd.f32 v40, v0  }
0x262: {  	v46 =	vld [tilespmem:s2+$0x19180];
	v1 =	vadd.f32 v41, v1  }
0x263: {  	v47 =	vld [tilespmem:s2+$0x19190];
	v0 =	vadd.f32 v42, v0  }
0x264: {  	v48 =	vld [tilespmem:s2+$0x19580];
	v1 =	vadd.f32 v43, v1  }
0x265: {  	v49 =	vld [tilespmem:s2+$0x19590];
	v0 =	vadd.f32 v44, v0  }
0x266: {  	v50 =	vld [tilespmem:s2+$0x19980];
	v1 =	vadd.f32 v45, v1  }
0x267: {  	v51 =	vld [tilespmem:s2+$0x19990];
	v0 =	vadd.f32 v46, v0  }
0x268: {  	v52 =	vld [tilespmem:s2+$0x19D80];
	v1 =	vadd.f32 v47, v1  }
0x269: {  	v53 =	vld [tilespmem:s2+$0x19D90];
	v0 =	vadd.f32 v48, v0  }
0x26a: {  	v54 =	vld [tilespmem:s2+$0x1A180];
	v1 =	vadd.f32 v49, v1  }
0x26b: {  	v55 =	vld [tilespmem:s2+$0x1A190];
	v0 =	vadd.f32 v50, v0  }
0x26c: {  	v56 =	vld [tilespmem:s2+$0x1A580];
	v1 =	vadd.f32 v51, v1  }
0x26d: {  	v57 =	vld [tilespmem:s2+$0x1A590];
	v0 =	vadd.f32 v52, v0  }
0x26e: {  	v58 =	vld [tilespmem:s2+$0x1A980];
	v1 =	vadd.f32 v53, v1  }
0x26f: {  	v59 =	vld [tilespmem:s2+$0x1A990];
	v0 =	vadd.f32 v54, v0  }
0x270: {  	v60 =	vld [tilespmem:s2+$0x1AD80];
	v1 =	vadd.f32 v55, v1  }
0x271: {  	v61 =	vld [tilespmem:s2+$0x1AD90];
	v0 =	vadd.f32 v56, v0  }
0x272: {  	v62 =	vld [tilespmem:s2+$0x1C5B0];
	v1 =	vadd.f32 v57, v1  }
0x273: {  	v63 =	vld [tilespmem:s2+$0x1C5A0];
	v0 =	vadd.f32 v58, v0  }
0x274: {  	v1 =	vadd.f32 v59, v1  }
0x275: {  	v0 =	vadd.f32 v60, v0  }
0x276: {  	v1 =	vadd.f32 v61, v1  }
0x277: {  	[tilespmem:s11+$0x20] =	vst v62;
	v0 =	vmul.f32 $1.999999960e-02, v0  }
0x278: {  	[tilespmem:s11+$0x10] =	vst v63;
	v1 =	vmul.f32 $1.999999960e-02, v1  }
0x279: {  	[tilespmem:s11+$0xFFFFFFD0] =	vst v0;
	v0 =	vmul.f32 v63, v0  }
0x27a: {  	s25 =	smul.u32 $0xC, s15;
	s3 =	sadd.s32 $0x1, s3;
	[tilespmem:s11+$0xFFFFFFE0] =	vst v1;
	v1 =	vmul.f32 v62, v1  }
0x27b: {  	p0 =	sne.s32 s3, $0x8;
	[tilespmem:s11+$0xFFFFFFF0] =	vst v0  }
.Ltmp6:
0x27c: {  	s2 =	sadd.s32 s4, s25;
	[tilespmem:s11+$0x0] =	vst v1;
	(pc) =	sbr.rel @p0 .LBB2_4-.Ltmp6, $4  }
0x27d: {  	[hbm4b:s2+s6] =	stream.linear.scatter [tilespmem:s0], [sflag:$0x4], $0xC00, $0x38;
	[tilespmem:$0x1D6A0] =	vst v63  }
0x27e: {  	_ =	swait.ge [sflag:s16], $0xC00  }
0x27f: {  	[sflag:s16] =	ssyncset.done $0x0  }
0x280: {  	[sflag:s16] =	ssyncadd.s32 $0xFFFFF400  }
0x281: {  	s3 =	rddreg [dreg:$0x9]  }
0x282: {  	s2 =	rddreg [dreg:$0x8];
	s3 =	sadd.s32 $0x1, s3  }
0x283: {  	p0 =	sne.s32 s3, s2  }
.Ltmp7:
0x284: {  	_ = 	snop;
	(pc) =	sbr.rel @p0 .LBB2_1-.Ltmp7, $1  }
0x285: {  	_ =	sdelay $0x3  }
0x286: {  	_ =	sfence.sel $0x180000  }
0x287: {  	[bflag:$0x0] =	sbarrier.arrive $0xFFFF  }
0x288: {  	_ =	strace $0x90000047  }
0x289: {  	s0 =	stileid.u32;
	[bflag:$0x2] =	sbarrier.arrive $0xFFFF  }
0x28a: {  	p0 =	sne.s32 s0, $0x0;
	s0 =	rddreg [dreg:$0x5]  }
0x28b: {  	s0 =	sadd.s32 @!p0 $0x100000, s0  }
0x28c: {  	[sflag:s0] =	ssyncadd.tile.s32 @!p0 $0x1;
	_ =	shalt  }
.Lfunc_end2:
_tile_overlayer_lowered:
.L_overlay_start_2:
0x28d: {  	(tag) =	ssettag $0x2  }
0x28e: {  	s0 =	rddreg [dreg:$0x0];
	s2 =	stileid.u32  }
0x28f: {  	s1 =	rddreg [dreg:$0x1];
	p0 =	sne.s32 s2, $0x0  }
0x290: {  	s3 =	rddreg [dreg:$0x2];
	[bflag:$0x3] =	sbarrier.arrive $0xFFFF;
	s2 =	simm.s32 @!p0 $0x1C04  }
0x291: {  	[timem:s3], [sflag:s2] =	dma.local @!p0 [hbm:s0], s1  }
0x292: {  	s0 =	simm.s32 @!p0 $0x4  }
0x293: {  	_ =	swait.ge @!p0 [sflag:s0], s1  }
0x294: {  	s1 =	ssub.s32 @!p0 $0x0, s1;
	[sflag:s0] =	ssyncset.done @!p0 $0x0  }
0x295: {  	[sflag:s0] =	ssyncadd.s32 @!p0 s1  }
0x296: {  	[bflag:$0x3] =	sbarrier.arrive $0xFFFF  }
0x297: {  	_ =	shalt  }

</sc_bundles>
